<compile_context>
chip_gen: v7x
topology: tpu7x:2x2x1
jax: 0.10.2.dev20260603
libtpu: 0.0.44.dev20260713+nightly
codegen_flags: <defaults>
</compile_context>

<pallas_src>
import functools

import jax
import jax.numpy as jnp
from jax import lax
from jax.experimental import pallas as pl
from jax.experimental.pallas import tpu as pltpu
from jax.experimental.pallas import tpu_sc as plsc

N = 10000
D = 128
E = 320000
DA = 144

NC = 2
NS = 16
NW = NC * NS
EPW = E // NW
K = 100
STEPS = EPW // K
NP = 10240
NPP = NP + NW
RPT = NP // NS

_mesh = plsc.VectorSubcoreMesh(core_axis_name="c", subcore_axis_name="s")


def _make_agg(width, nbuf):
    @functools.partial(
        pl.kernel,
        out_type=jax.ShapeDtypeStruct((NC * NP, width), jnp.float32),
        mesh=_mesh,
        compiler_params=pltpu.CompilerParams(use_tc_tiling_on_sc=False),
        scratch_types=(
            tuple(pltpu.VMEM((2, K), jnp.int32) for _ in range(nbuf)),
            tuple(pltpu.VMEM((K, width), jnp.float32) for _ in range(nbuf)),
            pltpu.VMEM_SHARED((NPP, width), jnp.float32),
            tuple(pltpu.SemaphoreType.DMA for _ in range(nbuf)),
            tuple(pltpu.SemaphoreType.DMA for _ in range(nbuf)),
        ),
    )
    def _agg(x_hbm, idx_hbm, zrow_hbm, agg_out,
             idx, rows, agg_sp, gsem, ssem):
        c = lax.axis_index("c")
        s = lax.axis_index("s")
        wid = c * NS + s
        row0 = wid * STEPS
        r0 = s * RPT
        pltpu.sync_copy(zrow_hbm, agg_sp.at[pl.ds(r0, RPT)])
        plsc.subcore_barrier()

        def load_idx(i, b):
            pltpu.sync_copy(idx_hbm.at[row0 + i], idx[b])

        def gather(b):
            return pltpu.async_copy(x_hbm.at[idx[b].at[0]], rows[b], gsem[b])

        def gwait(b):
            pltpu.make_async_copy(x_hbm.at[idx[b].at[0]], rows[b],
                                  gsem[b]).wait()

        def scatter(b):
            return pltpu.async_copy(rows[b], agg_sp.at[idx[b].at[1]],
                                    ssem[b], add=True)

        for b in range(nbuf):
            load_idx(b, b)
            gather(b)

        n_steady = (STEPS - nbuf) // nbuf

        @pl.loop(0, n_steady * nbuf, step=nbuf)
        def _steady(t0):
            sd = []
            for b in range(nbuf):
                gwait(b)
                sd.append(scatter(b))
            for b in range(nbuf):
                sd[b].wait()
                load_idx(t0 + nbuf + b, b)
                gather(b)

        rem = STEPS - n_steady * nbuf
        sd = []
        for j in range(rem):
            b = j % nbuf
            if j >= nbuf:
                sd[b].wait()
                load_idx(n_steady * nbuf + j, b)
                gather(b)
                gwait(b)
                sd[b] = scatter(b)
            else:
                gwait(b)
                sd.append(scatter(b))
        for d in sd:
            d.wait()

        plsc.subcore_barrier()
        pltpu.sync_copy(agg_sp.at[pl.ds(r0, RPT)],
                        agg_out.at[pl.ds(c * NP + r0, RPT)])

    return _agg


_agg_aug = _make_agg(DA, 2)
_agg_plain = _make_agg(D, 3)


BR = 1000
GRID = N // BR

_row_spec = pl.BlockSpec((BR, D), lambda i: (i, 0))
_p_aug_spec = pl.BlockSpec((2, BR, DA), lambda i: (0, i, 0))
_p_row_spec = pl.BlockSpec((2, BR, D), lambda i: (0, i, 0))
_p_deg_spec = pl.BlockSpec((2, BR, 16), lambda i: (0, i, 8))
_w_spec = pl.BlockSpec((D, D), lambda i: (0, 0))
_b_spec = pl.BlockSpec((1, D), lambda i: (0, 0))


def _tc1_body(x_ref, a_ref, w_ref, b_ref, h_ref, recip_ref):
    deg = a_ref[0, :, D:D + 1] + a_ref[1, :, D:D + 1]
    recip = 1.0 / jnp.maximum(deg, 1.0)
    agg = a_ref[0, :, :D] + a_ref[1, :, :D]
    rst = x_ref[...] + agg * recip
    h_ref[...] = jnp.maximum(
        jnp.dot(rst, w_ref[...], preferred_element_type=jnp.float32)
        + b_ref[...], 0.0)
    recip_ref[...] = recip + jnp.zeros((BR, D), jnp.float32)


_tc1 = pl.pallas_call(
    _tc1_body,
    grid=(GRID,),
    in_specs=[_row_spec, _p_aug_spec, _w_spec, _b_spec],
    out_specs=(_row_spec, _row_spec),
    out_shape=(jax.ShapeDtypeStruct((N, D), jnp.float32),
               jax.ShapeDtypeStruct((N, D), jnp.float32)),
)


def _tc2_body(x_ref, a_ref, recip_ref, w_ref, b_ref,
              wd1_ref, bd1_ref, wd2_ref, bd2_ref,
              hg_ref, rec_ref, acc_ref):
    i = pl.program_id(0)
    agg = a_ref[0] + a_ref[1]
    rst = x_ref[...] + agg * recip_ref[...]
    h2 = jnp.maximum(
        jnp.dot(rst, w_ref[...], preferred_element_type=jnp.float32)
        + b_ref[...], 0.0)
    part = jnp.sum(h2, axis=0, keepdims=True)

    @pl.when(i == 0)
    def _():
        acc_ref[...] = part

    @pl.when(i > 0)
    def _():
        acc_ref[...] = acc_ref[...] + part

    @pl.when(i == GRID - 1)
    def _():
        hg = acc_ref[...] * (1.0 / N)
        hg_ref[...] = hg
        r1 = jnp.maximum(
            jnp.dot(hg, wd1_ref[...], preferred_element_type=jnp.float32)
            + bd1_ref[...], 0.0)
        rec_ref[...] = (
            jnp.dot(r1, wd2_ref[...], preferred_element_type=jnp.float32)
            + bd2_ref[...])


_tc2 = pl.pallas_call(
    _tc2_body,
    grid=(GRID,),
    in_specs=[_row_spec, _p_row_spec, _row_spec,
              _w_spec, _b_spec, _w_spec, _b_spec, _w_spec, _b_spec],
    out_specs=(_b_spec, _b_spec),
    out_shape=(jax.ShapeDtypeStruct((1, D), jnp.float32),
               jax.ShapeDtypeStruct((1, D), jnp.float32)),
    scratch_shapes=[pltpu.VMEM((1, D), jnp.float32)],
)


def kernel(features, edge_index, W1, b1, W2, b2, Wd1, bd1, Wd2, bd2):
    ei = edge_index.reshape(2, NW, STEPS, K)
    idxm = jnp.stack([ei[0], ei[1]], axis=2).reshape(NW * STEPS, 2, K)
    x_aug = jnp.concatenate(
        [features, jnp.ones((N, 1), jnp.float32),
         jnp.zeros((N, DA - D - 1), jnp.float32)], axis=1)
    zaug = jnp.zeros((RPT, DA), jnp.float32)
    zrow = jnp.zeros((RPT, D), jnp.float32)

    aggp = _agg_aug(x_aug, idxm, zaug).reshape(2, NP, DA)
    h1, recip = _tc1(features, aggp, W1, b1.reshape(1, D))
    aggp2 = _agg_plain(h1, idxm, zrow).reshape(2, NP, D)
    hg, rec = _tc2(h1, aggp2, recip, W2,
                   b2.reshape(1, D), Wd1, bd1.reshape(1, D),
                   Wd2, bd2.reshape(1, D))
    return (hg, rec)

# --- scband reference (transcript-rebuilt; emitter-appended) ---
"""Pipeline reference for scband-ginautoencoder-48163763257711 (READ-ONLY COPY).

The authoritative reference and input builder live on the scoring server;
editing this copy changes nothing except your own understanding.
"""

import jax, jax.numpy as jnp
import numpy as np

N = 10000
E = 320000
D = 128
H = 128
O = 128


def _gin_conv_mean(x, src, dst, W, b, n_nodes):
    # DGL GINConv with aggregator_type='mean', eps=0 (default, not learnable):
    # rst = apply_func((1 + eps) * x + mean_{j in N(i)} x_j)
    msgs = x[src]  # gather source node features along edges
    msg_sum = jnp.zeros((n_nodes, x.shape[1]), dtype=x.dtype).at[dst].add(msgs)
    deg = jnp.zeros((n_nodes,), dtype=x.dtype).at[dst].add(1.0)
    agg = msg_sum / jnp.maximum(deg, 1.0)[:, None]  # zero-in-degree nodes get 0 agg
    rst = x + agg  # (1 + eps) * x + agg with eps = 0
    return rst @ W + b


def setup_inputs(seed: int = 0) -> dict:
    key = jax.random.key(seed)
    ks = jax.random.split(key, 11)
    features = jax.random.normal(ks[0], (N, D), dtype=jnp.float32)
    edge_index = jax.random.randint(ks[1], (2, E), 0, N, dtype=jnp.int32)
    W1 = jax.random.normal(ks[2], (D, H), dtype=jnp.float32) / np.sqrt(D)
    b1 = jnp.zeros((H,), dtype=jnp.float32)
    W2 = jax.random.normal(ks[3], (H, H), dtype=jnp.float32) / np.sqrt(H)
    b2 = jnp.zeros((H,), dtype=jnp.float32)
    Wd1 = jax.random.normal(ks[4], (H, H), dtype=jnp.float32) / np.sqrt(H)
    bd1 = jnp.zeros((H,), dtype=jnp.float32)
    Wd2 = jax.random.normal(ks[5], (H, O), dtype=jnp.float32) / np.sqrt(H)
    bd2 = jnp.zeros((O,), dtype=jnp.float32)
    return {
        "features": features,
        "edge_index": edge_index,
        "W1": W1, "b1": b1,
        "W2": W2, "b2": b2,
        "Wd1": Wd1, "bd1": bd1,
        "Wd2": Wd2, "bd2": bd2,
    }


def reference(features, edge_index, W1, b1, W2, b2, Wd1, bd1, Wd2, bd2):
    src = edge_index[0]
    dst = edge_index[1]
    h = jax.nn.relu(_gin_conv_mean(features, src, dst, W1, b1, N))
    h = jax.nn.relu(_gin_conv_mean(h, src, dst, W2, b2, N))
    # dgl.mean_nodes over a single graph: mean over all nodes -> [1, H]
    hg = jnp.mean(h, axis=0, keepdims=True)
    reconstructed = jax.nn.relu(hg @ Wd1 + bd1)
    reconstructed = reconstructed @ Wd2 + bd2
    return (hg, reconstructed)

if __name__ == "__main__":
    import jax
    _d = setup_inputs()
    print(jax.jit(kernel)(*tuple(_d.values())))

</pallas_src>

<mosaic_0001>
#map = affine_map<(d0, d1) -> (0, 0)>
#map1 = affine_map<(d0, d1) -> (0, 0, 0)>
module attributes {stable_mosaic.version = 14 : i64} {
  func.func @_agg(%arg0: i32, %arg1: i32, %arg2: memref<10000x144xf32, #tpu.memory_space<hbm>>, %arg3: memref<3200x2x100xi32, #tpu.memory_space<hbm>>, %arg4: memref<640x144xf32, #tpu.memory_space<hbm>>, %arg5: memref<20480x144xf32, #tpu.memory_space<hbm>>, %arg6: memref<2x100xi32, #tpu.memory_space<vmem>>, %arg7: memref<2x100xi32, #tpu.memory_space<vmem>>, %arg8: memref<100x144xf32, #tpu.memory_space<vmem>>, %arg9: memref<100x144xf32, #tpu.memory_space<vmem>>, %arg10: memref<10272x144xf32, #tpu.memory_space<vmem_shared>>, %arg11: memref<!tpu.dma_semaphore, #tpu.memory_space<semaphore_mem>>, %arg12: memref<!tpu.dma_semaphore, #tpu.memory_space<semaphore_mem>>, %arg13: memref<!tpu.dma_semaphore, #tpu.memory_space<semaphore_mem>>, %arg14: memref<!tpu.dma_semaphore, #tpu.memory_space<semaphore_mem>>) attributes {dimension_semantics = [#tpu.dimension_semantics<core_parallel>, #tpu.dimension_semantics<subcore_parallel>], iteration_bounds = array<i64: 2, 16>, scalar_prefetch = 0 : i64, scratch_operands = 9 : i64, tpu.core_type = #tpu.core_type<sc_vector_subcore>, window_params = [{transform_indices = #map}, {transform_indices = #map1}, {transform_indices = #map}, {transform_indices = #map}]} {
    %mul3A = arith.constant 16 : i32
    %mul3A_0 = arith.muli %arg0, %mul3A : i32
    %add3A = arith.addi %mul3A_0, %arg1 : i32
    %mul3A_1 = arith.constant 100 : i32
    %mul3A_2 = arith.muli %add3A, %mul3A_1 : i32
    %mul3A_3 = arith.constant 640 : i32
    %mul3A_4 = arith.muli %arg1, %mul3A_3 : i32
    "tpu.region"() ({
      %run_scoped3A = tpu.sem_alloc : memref<!tpu.dma_semaphore, #tpu.memory_space<semaphore_mem>>
      %dma_start3A_71 = arith.constant 0 : i32
      %dma_start3A_72 = tpu.memref_slice %arg10[%mul3A_4, %dma_start3A_71] : memref<10272x144xf32, #tpu.memory_space<vmem_shared>> -> memref<640x144xf32, #tpu.memory_space<vmem_shared>>
      tpu.enqueue_dma source(%arg4 : memref<640x144xf32, #tpu.memory_space<hbm>>) target(%dma_start3A_72 : memref<640x144xf32, #tpu.memory_space<vmem_shared>>) target_semaphore(%run_scoped3A : memref<!tpu.dma_semaphore, #tpu.memory_space<semaphore_mem>>)
      %dma_wait3A_73 = arith.constant 0 : i32
      %dma_wait3A_74 = tpu.memref_slice %arg10[%mul3A_4, %dma_wait3A_73] : memref<10272x144xf32, #tpu.memory_space<vmem_shared>> -> memref<640x144xf32, #tpu.memory_space<vmem_shared>>
      tpu.wait_dma2 semaphore(%run_scoped3A : memref<!tpu.dma_semaphore, #tpu.memory_space<semaphore_mem>>) src(%arg4 : memref<640x144xf32, #tpu.memory_space<hbm>>) dst(%dma_wait3A_74 : memref<640x144xf32, #tpu.memory_space<vmem_shared>>)
      tpu.yield
    }) : () -> ()
    %barrier3A = arith.constant 0 : index
    tpu.barrier barrier_id(%barrier3A)
    %add3A_5 = arith.constant 0 : i32
    %add3A_6 = arith.addi %mul3A_2, %add3A_5 : i32
    "tpu.region"() ({
      %run_scoped3A = tpu.sem_alloc : memref<!tpu.dma_semaphore, #tpu.memory_space<semaphore_mem>>
      %dma_start3A_71 = arith.constant 0 : i32
      %dma_start3A_72 = arith.constant 0 : i32
      %dma_start3A_73 = tpu.memref_slice %arg3[%add3A_6, %dma_start3A_71, %dma_start3A_72] : memref<3200x2x100xi32, #tpu.memory_space<hbm>> -> memref<1x2x100xi32, #tpu.memory_space<hbm>>
      %dma_start3A_74 = tpu.memref_squeeze %dma_start3A_73 : memref<1x2x100xi32, #tpu.memory_space<hbm>> -> memref<2x100xi32, #tpu.memory_space<hbm>>
      %dma_start3A_75 = arith.constant 0 : i32
      %dma_start3A_76 = arith.constant 0 : i32
      %dma_start3A_77 = tpu.memref_slice %arg3[%add3A_6, %dma_start3A_75, %dma_start3A_76] : memref<3200x2x100xi32, #tpu.memory_space<hbm>> -> memref<1x2x100xi32, #tpu.memory_space<hbm>>
      %dma_start3A_78 = tpu.memref_squeeze %dma_start3A_77 : memref<1x2x100xi32, #tpu.memory_space<hbm>> -> memref<2x100xi32, #tpu.memory_space<hbm>>
      tpu.enqueue_dma source(%dma_start3A_78 : memref<2x100xi32, #tpu.memory_space<hbm>>) target(%arg6 : memref<2x100xi32, #tpu.memory_space<vmem>>) target_semaphore(%run_scoped3A : memref<!tpu.dma_semaphore, #tpu.memory_space<semaphore_mem>>)
      %dma_wait3A_79 = arith.constant 0 : i32
      %dma_wait3A_80 = arith.constant 0 : i32
      %dma_wait3A_81 = tpu.memref_slice %arg3[%add3A_6, %dma_wait3A_79, %dma_wait3A_80] : memref<3200x2x100xi32, #tpu.memory_space<hbm>> -> memref<1x2x100xi32, #tpu.memory_space<hbm>>
      %dma_wait3A_82 = tpu.memref_squeeze %dma_wait3A_81 : memref<1x2x100xi32, #tpu.memory_space<hbm>> -> memref<2x100xi32, #tpu.memory_space<hbm>>
      %dma_wait3A_83 = arith.constant 0 : i32
      %dma_wait3A_84 = arith.constant 0 : i32
      %dma_wait3A_85 = tpu.memref_slice %arg3[%add3A_6, %dma_wait3A_83, %dma_wait3A_84] : memref<3200x2x100xi32, #tpu.memory_space<hbm>> -> memref<1x2x100xi32, #tpu.memory_space<hbm>>
      %dma_wait3A_86 = tpu.memref_squeeze %dma_wait3A_85 : memref<1x2x100xi32, #tpu.memory_space<hbm>> -> memref<2x100xi32, #tpu.memory_space<hbm>>
      tpu.wait_dma2 semaphore(%run_scoped3A : memref<!tpu.dma_semaphore, #tpu.memory_space<semaphore_mem>>) src(%dma_wait3A_86 : memref<2x100xi32, #tpu.memory_space<hbm>>) dst(%arg6 : memref<2x100xi32, #tpu.memory_space<vmem>>)
      tpu.yield
    }) : () -> ()
    %dma_start3A = arith.constant 0 : i32
    %dma_start3A_7 = arith.constant 0 : i32
    %dma_start3A_8 = tpu.memref_slice %arg6[%dma_start3A, %dma_start3A_7] : memref<2x100xi32, #tpu.memory_space<vmem>> -> memref<1x100xi32, #tpu.memory_space<vmem>>
    %dma_start3A_9 = tpu.memref_squeeze %dma_start3A_8 : memref<1x100xi32, #tpu.memory_space<vmem>> -> memref<100xi32, #tpu.memory_space<vmem>>
    %dma_start3A_10 = arith.constant 0 : i32
    %dma_start3A_11 = arith.constant 0 : i32
    %dma_start3A_12 = tpu.memref_slice %arg2[%dma_start3A_10, %dma_start3A_11] : memref<10000x144xf32, #tpu.memory_space<hbm>> -> memref<10000x144xf32, #tpu.memory_space<hbm>>
    tpu.enqueue_indirect_dma source(%dma_start3A_12 : memref<10000x144xf32, #tpu.memory_space<hbm>>) target(%arg8 : memref<100x144xf32, #tpu.memory_space<vmem>>) offsets(%dma_start3A_9 : memref<100xi32, #tpu.memory_space<vmem>>) semaphore(%arg11 : memref<!tpu.dma_semaphore, #tpu.memory_space<semaphore_mem>>)
    %add3A_13 = arith.constant 1 : i32
    %add3A_14 = arith.addi %mul3A_2, %add3A_13 : i32
    "tpu.region"() ({
      %run_scoped3A = tpu.sem_alloc : memref<!tpu.dma_semaphore, #tpu.memory_space<semaphore_mem>>
      %dma_start3A_71 = arith.constant 0 : i32
      %dma_start3A_72 = arith.constant 0 : i32
      %dma_start3A_73 = tpu.memref_slice %arg3[%add3A_14, %dma_start3A_71, %dma_start3A_72] : memref<3200x2x100xi32, #tpu.memory_space<hbm>> -> memref<1x2x100xi32, #tpu.memory_space<hbm>>
      %dma_start3A_74 = tpu.memref_squeeze %dma_start3A_73 : memref<1x2x100xi32, #tpu.memory_space<hbm>> -> memref<2x100xi32, #tpu.memory_space<hbm>>
      %dma_start3A_75 = arith.constant 0 : i32
      %dma_start3A_76 = arith.constant 0 : i32
      %dma_start3A_77 = tpu.memref_slice %arg3[%add3A_14, %dma_start3A_75, %dma_start3A_76] : memref<3200x2x100xi32, #tpu.memory_space<hbm>> -> memref<1x2x100xi32, #tpu.memory_space<hbm>>
      %dma_start3A_78 = tpu.memref_squeeze %dma_start3A_77 : memref<1x2x100xi32, #tpu.memory_space<hbm>> -> memref<2x100xi32, #tpu.memory_space<hbm>>
      tpu.enqueue_dma source(%dma_start3A_78 : memref<2x100xi32, #tpu.memory_space<hbm>>) target(%arg7 : memref<2x100xi32, #tpu.memory_space<vmem>>) target_semaphore(%run_scoped3A : memref<!tpu.dma_semaphore, #tpu.memory_space<semaphore_mem>>)
      %dma_wait3A_79 = arith.constant 0 : i32
      %dma_wait3A_80 = arith.constant 0 : i32
      %dma_wait3A_81 = tpu.memref_slice %arg3[%add3A_14, %dma_wait3A_79, %dma_wait3A_80] : memref<3200x2x100xi32, #tpu.memory_space<hbm>> -> memref<1x2x100xi32, #tpu.memory_space<hbm>>
      %dma_wait3A_82 = tpu.memref_squeeze %dma_wait3A_81 : memref<1x2x100xi32, #tpu.memory_space<hbm>> -> memref<2x100xi32, #tpu.memory_space<hbm>>
      %dma_wait3A_83 = arith.constant 0 : i32
      %dma_wait3A_84 = arith.constant 0 : i32
      %dma_wait3A_85 = tpu.memref_slice %arg3[%add3A_14, %dma_wait3A_83, %dma_wait3A_84] : memref<3200x2x100xi32, #tpu.memory_space<hbm>> -> memref<1x2x100xi32, #tpu.memory_space<hbm>>
      %dma_wait3A_86 = tpu.memref_squeeze %dma_wait3A_85 : memref<1x2x100xi32, #tpu.memory_space<hbm>> -> memref<2x100xi32, #tpu.memory_space<hbm>>
      tpu.wait_dma2 semaphore(%run_scoped3A : memref<!tpu.dma_semaphore, #tpu.memory_space<semaphore_mem>>) src(%dma_wait3A_86 : memref<2x100xi32, #tpu.memory_space<hbm>>) dst(%arg7 : memref<2x100xi32, #tpu.memory_space<vmem>>)
      tpu.yield
    }) : () -> ()
    %dma_start3A_15 = arith.constant 0 : i32
    %dma_start3A_16 = arith.constant 0 : i32
    %dma_start3A_17 = tpu.memref_slice %arg7[%dma_start3A_15, %dma_start3A_16] : memref<2x100xi32, #tpu.memory_space<vmem>> -> memref<1x100xi32, #tpu.memory_space<vmem>>
    %dma_start3A_18 = tpu.memref_squeeze %dma_start3A_17 : memref<1x100xi32, #tpu.memory_space<vmem>> -> memref<100xi32, #tpu.memory_space<vmem>>
    %dma_start3A_19 = arith.constant 0 : i32
    %dma_start3A_20 = arith.constant 0 : i32
    %dma_start3A_21 = tpu.memref_slice %arg2[%dma_start3A_19, %dma_start3A_20] : memref<10000x144xf32, #tpu.memory_space<hbm>> -> memref<10000x144xf32, #tpu.memory_space<hbm>>
    tpu.enqueue_indirect_dma source(%dma_start3A_21 : memref<10000x144xf32, #tpu.memory_space<hbm>>) target(%arg9 : memref<100x144xf32, #tpu.memory_space<vmem>>) offsets(%dma_start3A_18 : memref<100xi32, #tpu.memory_space<vmem>>) semaphore(%arg12 : memref<!tpu.dma_semaphore, #tpu.memory_space<semaphore_mem>>)
    %scan3A = arith.constant 0 : i32
    %scan3A_22 = arith.constant 49 : i32
    %scan3A_23 = arith.addi %scan3A, %scan3A_22 : i32
    %scan3A_24 = arith.constant 1 : i32
    scf.for %scan3A_71 = %scan3A to %scan3A_23 step %scan3A_24  : i32 {
      %mul3A_72 = arith.constant 2 : i32
      %mul3A_73 = arith.muli %scan3A_71, %mul3A_72 : i32
      %add3A_74 = arith.constant 0 : i32
      %add3A_75 = arith.addi %add3A_74, %mul3A_73 : i32
      %dma_wait3A_76 = arith.constant 0 : i32
      %dma_wait3A_77 = arith.constant 0 : i32
      %dma_wait3A_78 = tpu.memref_slice %arg6[%dma_wait3A_76, %dma_wait3A_77] : memref<2x100xi32, #tpu.memory_space<vmem>> -> memref<1x100xi32, #tpu.memory_space<vmem>>
      %dma_wait3A_79 = tpu.memref_squeeze %dma_wait3A_78 : memref<1x100xi32, #tpu.memory_space<vmem>> -> memref<100xi32, #tpu.memory_space<vmem>>
      %dma_wait3A_80 = arith.constant 0 : i32
      %dma_wait3A_81 = arith.constant 0 : i32
      %dma_wait3A_82 = tpu.memref_slice %arg2[%dma_wait3A_80, %dma_wait3A_81] : memref<10000x144xf32, #tpu.memory_space<hbm>> -> memref<10000x144xf32, #tpu.memory_space<hbm>>
      tpu.wait_indirect_dma semaphore(%arg11 : memref<!tpu.dma_semaphore, #tpu.memory_space<semaphore_mem>>) src(%dma_wait3A_82 : memref<10000x144xf32, #tpu.memory_space<hbm>>) dst(%arg8 : memref<100x144xf32, #tpu.memory_space<vmem>>)
      %dma_start3A_83 = arith.constant 1 : i32
      %dma_start3A_84 = arith.constant 0 : i32
      %dma_start3A_85 = tpu.memref_slice %arg6[%dma_start3A_83, %dma_start3A_84] : memref<2x100xi32, #tpu.memory_space<vmem>> -> memref<1x100xi32, #tpu.memory_space<vmem>>
      %dma_start3A_86 = tpu.memref_squeeze %dma_start3A_85 : memref<1x100xi32, #tpu.memory_space<vmem>> -> memref<100xi32, #tpu.memory_space<vmem>>
      %dma_start3A_87 = arith.constant 0 : i32
      %dma_start3A_88 = arith.constant 0 : i32
      %dma_start3A_89 = tpu.memref_slice %arg10[%dma_start3A_87, %dma_start3A_88] : memref<10272x144xf32, #tpu.memory_space<vmem_shared>> -> memref<10272x144xf32, #tpu.memory_space<vmem_shared>>
      tpu.enqueue_indirect_dma source(%arg8 : memref<100x144xf32, #tpu.memory_space<vmem>>) target(%dma_start3A_89 : memref<10272x144xf32, #tpu.memory_space<vmem_shared>>) offsets(%dma_start3A_86 : memref<100xi32, #tpu.memory_space<vmem>>) semaphore(%arg13 : memref<!tpu.dma_semaphore, #tpu.memory_space<semaphore_mem>>) {add = true}
      %dma_wait3A_90 = arith.constant 0 : i32
      %dma_wait3A_91 = arith.constant 0 : i32
      %dma_wait3A_92 = tpu.memref_slice %arg7[%dma_wait3A_90, %dma_wait3A_91] : memref<2x100xi32, #tpu.memory_space<vmem>> -> memref<1x100xi32, #tpu.memory_space<vmem>>
      %dma_wait3A_93 = tpu.memref_squeeze %dma_wait3A_92 : memref<1x100xi32, #tpu.memory_space<vmem>> -> memref<100xi32, #tpu.memory_space<vmem>>
      %dma_wait3A_94 = arith.constant 0 : i32
      %dma_wait3A_95 = arith.constant 0 : i32
      %dma_wait3A_96 = tpu.memref_slice %arg2[%dma_wait3A_94, %dma_wait3A_95] : memref<10000x144xf32, #tpu.memory_space<hbm>> -> memref<10000x144xf32, #tpu.memory_space<hbm>>
      tpu.wait_indirect_dma semaphore(%arg12 : memref<!tpu.dma_semaphore, #tpu.memory_space<semaphore_mem>>) src(%dma_wait3A_96 : memref<10000x144xf32, #tpu.memory_space<hbm>>) dst(%arg9 : memref<100x144xf32, #tpu.memory_space<vmem>>)
      %dma_start3A_97 = arith.constant 1 : i32
      %dma_start3A_98 = arith.constant 0 : i32
      %dma_start3A_99 = tpu.memref_slice %arg7[%dma_start3A_97, %dma_start3A_98] : memref<2x100xi32, #tpu.memory_space<vmem>> -> memref<1x100xi32, #tpu.memory_space<vmem>>
      %dma_start3A_100 = tpu.memref_squeeze %dma_start3A_99 : memref<1x100xi32, #tpu.memory_space<vmem>> -> memref<100xi32, #tpu.memory_space<vmem>>
      %dma_start3A_101 = arith.constant 0 : i32
      %dma_start3A_102 = arith.constant 0 : i32
      %dma_start3A_103 = tpu.memref_slice %arg10[%dma_start3A_101, %dma_start3A_102] : memref<10272x144xf32, #tpu.memory_space<vmem_shared>> -> memref<10272x144xf32, #tpu.memory_space<vmem_shared>>
      tpu.enqueue_indirect_dma source(%arg9 : memref<100x144xf32, #tpu.memory_space<vmem>>) target(%dma_start3A_103 : memref<10272x144xf32, #tpu.memory_space<vmem_shared>>) offsets(%dma_start3A_100 : memref<100xi32, #tpu.memory_space<vmem>>) semaphore(%arg14 : memref<!tpu.dma_semaphore, #tpu.memory_space<semaphore_mem>>) {add = true}
      %dma_wait3A_104 = arith.constant 1 : i32
      %dma_wait3A_105 = arith.constant 0 : i32
      %dma_wait3A_106 = tpu.memref_slice %arg6[%dma_wait3A_104, %dma_wait3A_105] : memref<2x100xi32, #tpu.memory_space<vmem>> -> memref<1x100xi32, #tpu.memory_space<vmem>>
      %dma_wait3A_107 = tpu.memref_squeeze %dma_wait3A_106 : memref<1x100xi32, #tpu.memory_space<vmem>> -> memref<100xi32, #tpu.memory_space<vmem>>
      %dma_wait3A_108 = arith.constant 0 : i32
      %dma_wait3A_109 = arith.constant 0 : i32
      %dma_wait3A_110 = tpu.memref_slice %arg10[%dma_wait3A_108, %dma_wait3A_109] : memref<10272x144xf32, #tpu.memory_space<vmem_shared>> -> memref<10272x144xf32, #tpu.memory_space<vmem_shared>>
      tpu.wait_indirect_dma semaphore(%arg13 : memref<!tpu.dma_semaphore, #tpu.memory_space<semaphore_mem>>) src(%arg8 : memref<100x144xf32, #tpu.memory_space<vmem>>) dst(%dma_wait3A_110 : memref<10272x144xf32, #tpu.memory_space<vmem_shared>>)
      %add3A_111 = arith.constant 2 : i32
      %add3A_112 = arith.addi %add3A_75, %add3A_111 : i32
      %add3A_113 = arith.constant 0 : i32
      %add3A_114 = arith.addi %add3A_112, %add3A_113 : i32
      %add3A_115 = arith.addi %mul3A_2, %add3A_114 : i32
      "tpu.region"() ({
        %run_scoped3A = tpu.sem_alloc : memref<!tpu.dma_semaphore, #tpu.memory_space<semaphore_mem>>
        %dma_start3A_142 = arith.constant 0 : i32
        %dma_start3A_143 = arith.constant 0 : i32
        %dma_start3A_144 = tpu.memref_slice %arg3[%add3A_115, %dma_start3A_142, %dma_start3A_143] : memref<3200x2x100xi32, #tpu.memory_space<hbm>> -> memref<1x2x100xi32, #tpu.memory_space<hbm>>
        %dma_start3A_145 = tpu.memref_squeeze %dma_start3A_144 : memref<1x2x100xi32, #tpu.memory_space<hbm>> -> memref<2x100xi32, #tpu.memory_space<hbm>>
        %dma_start3A_146 = arith.constant 0 : i32
        %dma_start3A_147 = arith.constant 0 : i32
        %dma_start3A_148 = tpu.memref_slice %arg3[%add3A_115, %dma_start3A_146, %dma_start3A_147] : memref<3200x2x100xi32, #tpu.memory_space<hbm>> -> memref<1x2x100xi32, #tpu.memory_space<hbm>>
        %dma_start3A_149 = tpu.memref_squeeze %dma_start3A_148 : memref<1x2x100xi32, #tpu.memory_space<hbm>> -> memref<2x100xi32, #tpu.memory_space<hbm>>
        tpu.enqueue_dma source(%dma_start3A_149 : memref<2x100xi32, #tpu.memory_space<hbm>>) target(%arg6 : memref<2x100xi32, #tpu.memory_space<vmem>>) target_semaphore(%run_scoped3A : memref<!tpu.dma_semaphore, #tpu.memory_space<semaphore_mem>>)
        %dma_wait3A_150 = arith.constant 0 : i32
        %dma_wait3A_151 = arith.constant 0 : i32
        %dma_wait3A_152 = tpu.memref_slice %arg3[%add3A_115, %dma_wait3A_150, %dma_wait3A_151] : memref<3200x2x100xi32, #tpu.memory_space<hbm>> -> memref<1x2x100xi32, #tpu.memory_space<hbm>>
        %dma_wait3A_153 = tpu.memref_squeeze %dma_wait3A_152 : memref<1x2x100xi32, #tpu.memory_space<hbm>> -> memref<2x100xi32, #tpu.memory_space<hbm>>
        %dma_wait3A_154 = arith.constant 0 : i32
        %dma_wait3A_155 = arith.constant 0 : i32
        %dma_wait3A_156 = tpu.memref_slice %arg3[%add3A_115, %dma_wait3A_154, %dma_wait3A_155] : memref<3200x2x100xi32, #tpu.memory_space<hbm>> -> memref<1x2x100xi32, #tpu.memory_space<hbm>>
        %dma_wait3A_157 = tpu.memref_squeeze %dma_wait3A_156 : memref<1x2x100xi32, #tpu.memory_space<hbm>> -> memref<2x100xi32, #tpu.memory_space<hbm>>
        tpu.wait_dma2 semaphore(%run_scoped3A : memref<!tpu.dma_semaphore, #tpu.memory_space<semaphore_mem>>) src(%dma_wait3A_157 : memref<2x100xi32, #tpu.memory_space<hbm>>) dst(%arg6 : memref<2x100xi32, #tpu.memory_space<vmem>>)
        tpu.yield
      }) : () -> ()
      %dma_start3A_116 = arith.constant 0 : i32
      %dma_start3A_117 = arith.constant 0 : i32
      %dma_start3A_118 = tpu.memref_slice %arg6[%dma_start3A_116, %dma_start3A_117] : memref<2x100xi32, #tpu.memory_space<vmem>> -> memref<1x100xi32, #tpu.memory_space<vmem>>
      %dma_start3A_119 = tpu.memref_squeeze %dma_start3A_118 : memref<1x100xi32, #tpu.memory_space<vmem>> -> memref<100xi32, #tpu.memory_space<vmem>>
      %dma_start3A_120 = arith.constant 0 : i32
      %dma_start3A_121 = arith.constant 0 : i32
      %dma_start3A_122 = tpu.memref_slice %arg2[%dma_start3A_120, %dma_start3A_121] : memref<10000x144xf32, #tpu.memory_space<hbm>> -> memref<10000x144xf32, #tpu.memory_space<hbm>>
      tpu.enqueue_indirect_dma source(%dma_start3A_122 : memref<10000x144xf32, #tpu.memory_space<hbm>>) target(%arg8 : memref<100x144xf32, #tpu.memory_space<vmem>>) offsets(%dma_start3A_119 : memref<100xi32, #tpu.memory_space<vmem>>) semaphore(%arg11 : memref<!tpu.dma_semaphore, #tpu.memory_space<semaphore_mem>>)
      %dma_wait3A_123 = arith.constant 1 : i32
      %dma_wait3A_124 = arith.constant 0 : i32
      %dma_wait3A_125 = tpu.memref_slice %arg7[%dma_wait3A_123, %dma_wait3A_124] : memref<2x100xi32, #tpu.memory_space<vmem>> -> memref<1x100xi32, #tpu.memory_space<vmem>>
      %dma_wait3A_126 = tpu.memref_squeeze %dma_wait3A_125 : memref<1x100xi32, #tpu.memory_space<vmem>> -> memref<100xi32, #tpu.memory_space<vmem>>
      %dma_wait3A_127 = arith.constant 0 : i32
      %dma_wait3A_128 = arith.constant 0 : i32
      %dma_wait3A_129 = tpu.memref_slice %arg10[%dma_wait3A_127, %dma_wait3A_128] : memref<10272x144xf32, #tpu.memory_space<vmem_shared>> -> memref<10272x144xf32, #tpu.memory_space<vmem_shared>>
      tpu.wait_indirect_dma semaphore(%arg14 : memref<!tpu.dma_semaphore, #tpu.memory_space<semaphore_mem>>) src(%arg9 : memref<100x144xf32, #tpu.memory_space<vmem>>) dst(%dma_wait3A_129 : memref<10272x144xf32, #tpu.memory_space<vmem_shared>>)
      %add3A_130 = arith.constant 2 : i32
      %add3A_131 = arith.addi %add3A_75, %add3A_130 : i32
      %add3A_132 = arith.constant 1 : i32
      %add3A_133 = arith.addi %add3A_131, %add3A_132 : i32
      %add3A_134 = arith.addi %mul3A_2, %add3A_133 : i32
      "tpu.region"() ({
        %run_scoped3A = tpu.sem_alloc : memref<!tpu.dma_semaphore, #tpu.memory_space<semaphore_mem>>
        %dma_start3A_142 = arith.constant 0 : i32
        %dma_start3A_143 = arith.constant 0 : i32
        %dma_start3A_144 = tpu.memref_slice %arg3[%add3A_134, %dma_start3A_142, %dma_start3A_143] : memref<3200x2x100xi32, #tpu.memory_space<hbm>> -> memref<1x2x100xi32, #tpu.memory_space<hbm>>
        %dma_start3A_145 = tpu.memref_squeeze %dma_start3A_144 : memref<1x2x100xi32, #tpu.memory_space<hbm>> -> memref<2x100xi32, #tpu.memory_space<hbm>>
        %dma_start3A_146 = arith.constant 0 : i32
        %dma_start3A_147 = arith.constant 0 : i32
        %dma_start3A_148 = tpu.memref_slice %arg3[%add3A_134, %dma_start3A_146, %dma_start3A_147] : memref<3200x2x100xi32, #tpu.memory_space<hbm>> -> memref<1x2x100xi32, #tpu.memory_space<hbm>>
        %dma_start3A_149 = tpu.memref_squeeze %dma_start3A_148 : memref<1x2x100xi32, #tpu.memory_space<hbm>> -> memref<2x100xi32, #tpu.memory_space<hbm>>
        tpu.enqueue_dma source(%dma_start3A_149 : memref<2x100xi32, #tpu.memory_space<hbm>>) target(%arg7 : memref<2x100xi32, #tpu.memory_space<vmem>>) target_semaphore(%run_scoped3A : memref<!tpu.dma_semaphore, #tpu.memory_space<semaphore_mem>>)
        %dma_wait3A_150 = arith.constant 0 : i32
        %dma_wait3A_151 = arith.constant 0 : i32
        %dma_wait3A_152 = tpu.memref_slice %arg3[%add3A_134, %dma_wait3A_150, %dma_wait3A_151] : memref<3200x2x100xi32, #tpu.memory_space<hbm>> -> memref<1x2x100xi32, #tpu.memory_space<hbm>>
        %dma_wait3A_153 = tpu.memref_squeeze %dma_wait3A_152 : memref<1x2x100xi32, #tpu.memory_space<hbm>> -> memref<2x100xi32, #tpu.memory_space<hbm>>
        %dma_wait3A_154 = arith.constant 0 : i32
        %dma_wait3A_155 = arith.constant 0 : i32
        %dma_wait3A_156 = tpu.memref_slice %arg3[%add3A_134, %dma_wait3A_154, %dma_wait3A_155] : memref<3200x2x100xi32, #tpu.memory_space<hbm>> -> memref<1x2x100xi32, #tpu.memory_space<hbm>>
        %dma_wait3A_157 = tpu.memref_squeeze %dma_wait3A_156 : memref<1x2x100xi32, #tpu.memory_space<hbm>> -> memref<2x100xi32, #tpu.memory_space<hbm>>
        tpu.wait_dma2 semaphore(%run_scoped3A : memref<!tpu.dma_semaphore, #tpu.memory_space<semaphore_mem>>) src(%dma_wait3A_157 : memref<2x100xi32, #tpu.memory_space<hbm>>) dst(%arg7 : memref<2x100xi32, #tpu.memory_space<vmem>>)
        tpu.yield
      }) : () -> ()
      %dma_start3A_135 = arith.constant 0 : i32
      %dma_start3A_136 = arith.constant 0 : i32
      %dma_start3A_137 = tpu.memref_slice %arg7[%dma_start3A_135, %dma_start3A_136] : memref<2x100xi32, #tpu.memory_space<vmem>> -> memref<1x100xi32, #tpu.memory_space<vmem>>
      %dma_start3A_138 = tpu.memref_squeeze %dma_start3A_137 : memref<1x100xi32, #tpu.memory_space<vmem>> -> memref<100xi32, #tpu.memory_space<vmem>>
      %dma_start3A_139 = arith.constant 0 : i32
      %dma_start3A_140 = arith.constant 0 : i32
      %dma_start3A_141 = tpu.memref_slice %arg2[%dma_start3A_139, %dma_start3A_140] : memref<10000x144xf32, #tpu.memory_space<hbm>> -> memref<10000x144xf32, #tpu.memory_space<hbm>>
      tpu.enqueue_indirect_dma source(%dma_start3A_141 : memref<10000x144xf32, #tpu.memory_space<hbm>>) target(%arg9 : memref<100x144xf32, #tpu.memory_space<vmem>>) offsets(%dma_start3A_138 : memref<100xi32, #tpu.memory_space<vmem>>) semaphore(%arg12 : memref<!tpu.dma_semaphore, #tpu.memory_space<semaphore_mem>>)
    }
    %scan3A_25 = arith.constant 49 : i32
    %dma_wait3A = arith.constant 0 : i32
    %dma_wait3A_26 = arith.constant 0 : i32
    %dma_wait3A_27 = tpu.memref_slice %arg6[%dma_wait3A, %dma_wait3A_26] : memref<2x100xi32, #tpu.memory_space<vmem>> -> memref<1x100xi32, #tpu.memory_space<vmem>>
    %dma_wait3A_28 = tpu.memref_squeeze %dma_wait3A_27 : memref<1x100xi32, #tpu.memory_space<vmem>> -> memref<100xi32, #tpu.memory_space<vmem>>
    %dma_wait3A_29 = arith.constant 0 : i32
    %dma_wait3A_30 = arith.constant 0 : i32
    %dma_wait3A_31 = tpu.memref_slice %arg2[%dma_wait3A_29, %dma_wait3A_30] : memref<10000x144xf32, #tpu.memory_space<hbm>> -> memref<10000x144xf32, #tpu.memory_space<hbm>>
    tpu.wait_indirect_dma semaphore(%arg11 : memref<!tpu.dma_semaphore, #tpu.memory_space<semaphore_mem>>) src(%dma_wait3A_31 : memref<10000x144xf32, #tpu.memory_space<hbm>>) dst(%arg8 : memref<100x144xf32, #tpu.memory_space<vmem>>)
    %dma_start3A_32 = arith.constant 1 : i32
    %dma_start3A_33 = arith.constant 0 : i32
    %dma_start3A_34 = tpu.memref_slice %arg6[%dma_start3A_32, %dma_start3A_33] : memref<2x100xi32, #tpu.memory_space<vmem>> -> memref<1x100xi32, #tpu.memory_space<vmem>>
    %dma_start3A_35 = tpu.memref_squeeze %dma_start3A_34 : memref<1x100xi32, #tpu.memory_space<vmem>> -> memref<100xi32, #tpu.memory_space<vmem>>
    %dma_start3A_36 = arith.constant 0 : i32
    %dma_start3A_37 = arith.constant 0 : i32
    %dma_start3A_38 = tpu.memref_slice %arg10[%dma_start3A_36, %dma_start3A_37] : memref<10272x144xf32, #tpu.memory_space<vmem_shared>> -> memref<10272x144xf32, #tpu.memory_space<vmem_shared>>
    tpu.enqueue_indirect_dma source(%arg8 : memref<100x144xf32, #tpu.memory_space<vmem>>) target(%dma_start3A_38 : memref<10272x144xf32, #tpu.memory_space<vmem_shared>>) offsets(%dma_start3A_35 : memref<100xi32, #tpu.memory_space<vmem>>) semaphore(%arg13 : memref<!tpu.dma_semaphore, #tpu.memory_space<semaphore_mem>>) {add = true}
    %dma_wait3A_39 = arith.constant 0 : i32
    %dma_wait3A_40 = arith.constant 0 : i32
    %dma_wait3A_41 = tpu.memref_slice %arg7[%dma_wait3A_39, %dma_wait3A_40] : memref<2x100xi32, #tpu.memory_space<vmem>> -> memref<1x100xi32, #tpu.memory_space<vmem>>
    %dma_wait3A_42 = tpu.memref_squeeze %dma_wait3A_41 : memref<1x100xi32, #tpu.memory_space<vmem>> -> memref<100xi32, #tpu.memory_space<vmem>>
    %dma_wait3A_43 = arith.constant 0 : i32
    %dma_wait3A_44 = arith.constant 0 : i32
    %dma_wait3A_45 = tpu.memref_slice %arg2[%dma_wait3A_43, %dma_wait3A_44] : memref<10000x144xf32, #tpu.memory_space<hbm>> -> memref<10000x144xf32, #tpu.memory_space<hbm>>
    tpu.wait_indirect_dma semaphore(%arg12 : memref<!tpu.dma_semaphore, #tpu.memory_space<semaphore_mem>>) src(%dma_wait3A_45 : memref<10000x144xf32, #tpu.memory_space<hbm>>) dst(%arg9 : memref<100x144xf32, #tpu.memory_space<vmem>>)
    %dma_start3A_46 = arith.constant 1 : i32
    %dma_start3A_47 = arith.constant 0 : i32
    %dma_start3A_48 = tpu.memref_slice %arg7[%dma_start3A_46, %dma_start3A_47] : memref<2x100xi32, #tpu.memory_space<vmem>> -> memref<1x100xi32, #tpu.memory_space<vmem>>
    %dma_start3A_49 = tpu.memref_squeeze %dma_start3A_48 : memref<1x100xi32, #tpu.memory_space<vmem>> -> memref<100xi32, #tpu.memory_space<vmem>>
    %dma_start3A_50 = arith.constant 0 : i32
    %dma_start3A_51 = arith.constant 0 : i32
    %dma_start3A_52 = tpu.memref_slice %arg10[%dma_start3A_50, %dma_start3A_51] : memref<10272x144xf32, #tpu.memory_space<vmem_shared>> -> memref<10272x144xf32, #tpu.memory_space<vmem_shared>>
    tpu.enqueue_indirect_dma source(%arg9 : memref<100x144xf32, #tpu.memory_space<vmem>>) target(%dma_start3A_52 : memref<10272x144xf32, #tpu.memory_space<vmem_shared>>) offsets(%dma_start3A_49 : memref<100xi32, #tpu.memory_space<vmem>>) semaphore(%arg14 : memref<!tpu.dma_semaphore, #tpu.memory_space<semaphore_mem>>) {add = true}
    %dma_wait3A_53 = arith.constant 1 : i32
    %dma_wait3A_54 = arith.constant 0 : i32
    %dma_wait3A_55 = tpu.memref_slice %arg6[%dma_wait3A_53, %dma_wait3A_54] : memref<2x100xi32, #tpu.memory_space<vmem>> -> memref<1x100xi32, #tpu.memory_space<vmem>>
    %dma_wait3A_56 = tpu.memref_squeeze %dma_wait3A_55 : memref<1x100xi32, #tpu.memory_space<vmem>> -> memref<100xi32, #tpu.memory_space<vmem>>
    %dma_wait3A_57 = arith.constant 0 : i32
    %dma_wait3A_58 = arith.constant 0 : i32
    %dma_wait3A_59 = tpu.memref_slice %arg10[%dma_wait3A_57, %dma_wait3A_58] : memref<10272x144xf32, #tpu.memory_space<vmem_shared>> -> memref<10272x144xf32, #tpu.memory_space<vmem_shared>>
    tpu.wait_indirect_dma semaphore(%arg13 : memref<!tpu.dma_semaphore, #tpu.memory_space<semaphore_mem>>) src(%arg8 : memref<100x144xf32, #tpu.memory_space<vmem>>) dst(%dma_wait3A_59 : memref<10272x144xf32, #tpu.memory_space<vmem_shared>>)
    %dma_wait3A_60 = arith.constant 1 : i32
    %dma_wait3A_61 = arith.constant 0 : i32
    %dma_wait3A_62 = tpu.memref_slice %arg7[%dma_wait3A_60, %dma_wait3A_61] : memref<2x100xi32, #tpu.memory_space<vmem>> -> memref<1x100xi32, #tpu.memory_space<vmem>>
    %dma_wait3A_63 = tpu.memref_squeeze %dma_wait3A_62 : memref<1x100xi32, #tpu.memory_space<vmem>> -> memref<100xi32, #tpu.memory_space<vmem>>
    %dma_wait3A_64 = arith.constant 0 : i32
    %dma_wait3A_65 = arith.constant 0 : i32
    %dma_wait3A_66 = tpu.memref_slice %arg10[%dma_wait3A_64, %dma_wait3A_65] : memref<10272x144xf32, #tpu.memory_space<vmem_shared>> -> memref<10272x144xf32, #tpu.memory_space<vmem_shared>>
    tpu.wait_indirect_dma semaphore(%arg14 : memref<!tpu.dma_semaphore, #tpu.memory_space<semaphore_mem>>) src(%arg9 : memref<100x144xf32, #tpu.memory_space<vmem>>) dst(%dma_wait3A_66 : memref<10272x144xf32, #tpu.memory_space<vmem_shared>>)
    %barrier3A_67 = arith.constant 0 : index
    tpu.barrier barrier_id(%barrier3A_67)
    %mul3A_68 = arith.constant 10240 : i32
    %mul3A_69 = arith.muli %arg0, %mul3A_68 : i32
    %add3A_70 = arith.addi %mul3A_69, %mul3A_4 : i32
    "tpu.region"() ({
      %run_scoped3A = tpu.sem_alloc : memref<!tpu.dma_semaphore, #tpu.memory_space<semaphore_mem>>
      %dma_start3A_71 = arith.constant 0 : i32
      %dma_start3A_72 = tpu.memref_slice %arg5[%add3A_70, %dma_start3A_71] : memref<20480x144xf32, #tpu.memory_space<hbm>> -> memref<640x144xf32, #tpu.memory_space<hbm>>
      %dma_start3A_73 = arith.constant 0 : i32
      %dma_start3A_74 = tpu.memref_slice %arg10[%mul3A_4, %dma_start3A_73] : memref<10272x144xf32, #tpu.memory_space<vmem_shared>> -> memref<640x144xf32, #tpu.memory_space<vmem_shared>>
      tpu.enqueue_dma source(%dma_start3A_74 : memref<640x144xf32, #tpu.memory_space<vmem_shared>>) target(%dma_start3A_72 : memref<640x144xf32, #tpu.memory_space<hbm>>) target_semaphore(%run_scoped3A : memref<!tpu.dma_semaphore, #tpu.memory_space<semaphore_mem>>)
      %dma_wait3A_75 = arith.constant 0 : i32
      %dma_wait3A_76 = tpu.memref_slice %arg5[%add3A_70, %dma_wait3A_75] : memref<20480x144xf32, #tpu.memory_space<hbm>> -> memref<640x144xf32, #tpu.memory_space<hbm>>
      %dma_wait3A_77 = arith.constant 0 : i32
      %dma_wait3A_78 = tpu.memref_slice %arg10[%mul3A_4, %dma_wait3A_77] : memref<10272x144xf32, #tpu.memory_space<vmem_shared>> -> memref<640x144xf32, #tpu.memory_space<vmem_shared>>
      tpu.wait_dma2 semaphore(%run_scoped3A : memref<!tpu.dma_semaphore, #tpu.memory_space<semaphore_mem>>) src(%dma_wait3A_78 : memref<640x144xf32, #tpu.memory_space<vmem_shared>>) dst(%dma_wait3A_76 : memref<640x144xf32, #tpu.memory_space<hbm>>)
      tpu.yield
    }) : () -> ()
    return
  }
}

#map = affine_map<(d0, d1) -> (0, 0)>
#map1 = affine_map<(d0, d1) -> (0, 0, 0)>
module attributes {stable_mosaic.version = 14 : i64} {
  func.func @_agg(%arg0: i32, %arg1: i32, %arg2: memref<10000x128xf32, #tpu.memory_space<hbm>>, %arg3: memref<3200x2x100xi32, #tpu.memory_space<hbm>>, %arg4: memref<640x128xf32, #tpu.memory_space<hbm>>, %arg5: memref<20480x128xf32, #tpu.memory_space<hbm>>, %arg6: memref<2x100xi32, #tpu.memory_space<vmem>>, %arg7: memref<2x100xi32, #tpu.memory_space<vmem>>, %arg8: memref<2x100xi32, #tpu.memory_space<vmem>>, %arg9: memref<100x128xf32, #tpu.memory_space<vmem>>, %arg10: memref<100x128xf32, #tpu.memory_space<vmem>>, %arg11: memref<100x128xf32, #tpu.memory_space<vmem>>, %arg12: memref<10272x128xf32, #tpu.memory_space<vmem_shared>>, %arg13: memref<!tpu.dma_semaphore, #tpu.memory_space<semaphore_mem>>, %arg14: memref<!tpu.dma_semaphore, #tpu.memory_space<semaphore_mem>>, %arg15: memref<!tpu.dma_semaphore, #tpu.memory_space<semaphore_mem>>, %arg16: memref<!tpu.dma_semaphore, #tpu.memory_space<semaphore_mem>>, %arg17: memref<!tpu.dma_semaphore, #tpu.memory_space<semaphore_mem>>, %arg18: memref<!tpu.dma_semaphore, #tpu.memory_space<semaphore_mem>>) attributes {dimension_semantics = [#tpu.dimension_semantics<core_parallel>, #tpu.dimension_semantics<subcore_parallel>], iteration_bounds = array<i64: 2, 16>, scalar_prefetch = 0 : i64, scratch_operands = 13 : i64, tpu.core_type = #tpu.core_type<sc_vector_subcore>, window_params = [{transform_indices = #map}, {transform_indices = #map1}, {transform_indices = #map}, {transform_indices = #map}]} {
    %mul3A = arith.constant 16 : i32
    %mul3A_0 = arith.muli %arg0, %mul3A : i32
    %add3A = arith.addi %mul3A_0, %arg1 : i32
    %mul3A_1 = arith.constant 100 : i32
    %mul3A_2 = arith.muli %add3A, %mul3A_1 : i32
    %mul3A_3 = arith.constant 640 : i32
    %mul3A_4 = arith.muli %arg1, %mul3A_3 : i32
    "tpu.region"() ({
      %run_scoped3A = tpu.sem_alloc : memref<!tpu.dma_semaphore, #tpu.memory_space<semaphore_mem>>
      %dma_start3A_131 = arith.constant 0 : i32
      %dma_start3A_132 = tpu.memref_slice %arg12[%mul3A_4, %dma_start3A_131] : memref<10272x128xf32, #tpu.memory_space<vmem_shared>> -> memref<640x128xf32, #tpu.memory_space<vmem_shared>>
      tpu.enqueue_dma source(%arg4 : memref<640x128xf32, #tpu.memory_space<hbm>>) target(%dma_start3A_132 : memref<640x128xf32, #tpu.memory_space<vmem_shared>>) target_semaphore(%run_scoped3A : memref<!tpu.dma_semaphore, #tpu.memory_space<semaphore_mem>>)
      %dma_wait3A_133 = arith.constant 0 : i32
      %dma_wait3A_134 = tpu.memref_slice %arg12[%mul3A_4, %dma_wait3A_133] : memref<10272x128xf32, #tpu.memory_space<vmem_shared>> -> memref<640x128xf32, #tpu.memory_space<vmem_shared>>
      tpu.wait_dma2 semaphore(%run_scoped3A : memref<!tpu.dma_semaphore, #tpu.memory_space<semaphore_mem>>) src(%arg4 : memref<640x128xf32, #tpu.memory_space<hbm>>) dst(%dma_wait3A_134 : memref<640x128xf32, #tpu.memory_space<vmem_shared>>)
      tpu.yield
    }) : () -> ()
    %barrier3A = arith.constant 0 : index
    tpu.barrier barrier_id(%barrier3A)
    %add3A_5 = arith.constant 0 : i32
    %add3A_6 = arith.addi %mul3A_2, %add3A_5 : i32
    "tpu.region"() ({
      %run_scoped3A = tpu.sem_alloc : memref<!tpu.dma_semaphore, #tpu.memory_space<semaphore_mem>>
      %dma_start3A_131 = arith.constant 0 : i32
      %dma_start3A_132 = arith.constant 0 : i32
      %dma_start3A_133 = tpu.memref_slice %arg3[%add3A_6, %dma_start3A_131, %dma_start3A_132] : memref<3200x2x100xi32, #tpu.memory_space<hbm>> -> memref<1x2x100xi32, #tpu.memory_space<hbm>>
      %dma_start3A_134 = tpu.memref_squeeze %dma_start3A_133 : memref<1x2x100xi32, #tpu.memory_space<hbm>> -> memref<2x100xi32, #tpu.memory_space<hbm>>
      %dma_start3A_135 = arith.constant 0 : i32
      %dma_start3A_136 = arith.constant 0 : i32
      %dma_start3A_137 = tpu.memref_slice %arg3[%add3A_6, %dma_start3A_135, %dma_start3A_136] : memref<3200x2x100xi32, #tpu.memory_space<hbm>> -> memref<1x2x100xi32, #tpu.memory_space<hbm>>
      %dma_start3A_138 = tpu.memref_squeeze %dma_start3A_137 : memref<1x2x100xi32, #tpu.memory_space<hbm>> -> memref<2x100xi32, #tpu.memory_space<hbm>>
      tpu.enqueue_dma source(%dma_start3A_138 : memref<2x100xi32, #tpu.memory_space<hbm>>) target(%arg6 : memref<2x100xi32, #tpu.memory_space<vmem>>) target_semaphore(%run_scoped3A : memref<!tpu.dma_semaphore, #tpu.memory_space<semaphore_mem>>)
      %dma_wait3A_139 = arith.constant 0 : i32
      %dma_wait3A_140 = arith.constant 0 : i32
      %dma_wait3A_141 = tpu.memref_slice %arg3[%add3A_6, %dma_wait3A_139, %dma_wait3A_140] : memref<3200x2x100xi32, #tpu.memory_space<hbm>> -> memref<1x2x100xi32, #tpu.memory_space<hbm>>
      %dma_wait3A_142 = tpu.memref_squeeze %dma_wait3A_141 : memref<1x2x100xi32, #tpu.memory_space<hbm>> -> memref<2x100xi32, #tpu.memory_space<hbm>>
      %dma_wait3A_143 = arith.constant 0 : i32
      %dma_wait3A_144 = arith.constant 0 : i32
      %dma_wait3A_145 = tpu.memref_slice %arg3[%add3A_6, %dma_wait3A_143, %dma_wait3A_144] : memref<3200x2x100xi32, #tpu.memory_space<hbm>> -> memref<1x2x100xi32, #tpu.memory_space<hbm>>
      %dma_wait3A_146 = tpu.memref_squeeze %dma_wait3A_145 : memref<1x2x100xi32, #tpu.memory_space<hbm>> -> memref<2x100xi32, #tpu.memory_space<hbm>>
      tpu.wait_dma2 semaphore(%run_scoped3A : memref<!tpu.dma_semaphore, #tpu.memory_space<semaphore_mem>>) src(%dma_wait3A_146 : memref<2x100xi32, #tpu.memory_space<hbm>>) dst(%arg6 : memref<2x100xi32, #tpu.memory_space<vmem>>)
      tpu.yield
    }) : () -> ()
    %dma_start3A = arith.constant 0 : i32
    %dma_start3A_7 = arith.constant 0 : i32
    %dma_start3A_8 = tpu.memref_slice %arg6[%dma_start3A, %dma_start3A_7] : memref<2x100xi32, #tpu.memory_space<vmem>> -> memref<1x100xi32, #tpu.memory_space<vmem>>
    %dma_start3A_9 = tpu.memref_squeeze %dma_start3A_8 : memref<1x100xi32, #tpu.memory_space<vmem>> -> memref<100xi32, #tpu.memory_space<vmem>>
    %dma_start3A_10 = arith.constant 0 : i32
    %dma_start3A_11 = arith.constant 0 : i32
    %dma_start3A_12 = tpu.memref_slice %arg2[%dma_start3A_10, %dma_start3A_11] : memref<10000x128xf32, #tpu.memory_space<hbm>> -> memref<10000x128xf32, #tpu.memory_space<hbm>>
    tpu.enqueue_indirect_dma source(%dma_start3A_12 : memref<10000x128xf32, #tpu.memory_space<hbm>>) target(%arg9 : memref<100x128xf32, #tpu.memory_space<vmem>>) offsets(%dma_start3A_9 : memref<100xi32, #tpu.memory_space<vmem>>) semaphore(%arg13 : memref<!tpu.dma_semaphore, #tpu.memory_space<semaphore_mem>>)
    %add3A_13 = arith.constant 1 : i32
    %add3A_14 = arith.addi %mul3A_2, %add3A_13 : i32
    "tpu.region"() ({
      %run_scoped3A = tpu.sem_alloc : memref<!tpu.dma_semaphore, #tpu.memory_space<semaphore_mem>>
      %dma_start3A_131 = arith.constant 0 : i32
      %dma_start3A_132 = arith.constant 0 : i32
      %dma_start3A_133 = tpu.memref_slice %arg3[%add3A_14, %dma_start3A_131, %dma_start3A_132] : memref<3200x2x100xi32, #tpu.memory_space<hbm>> -> memref<1x2x100xi32, #tpu.memory_space<hbm>>
      %dma_start3A_134 = tpu.memref_squeeze %dma_start3A_133 : memref<1x2x100xi32, #tpu.memory_space<hbm>> -> memref<2x100xi32, #tpu.memory_space<hbm>>
      %dma_start3A_135 = arith.constant 0 : i32
      %dma_start3A_136 = arith.constant 0 : i32
      %dma_start3A_137 = tpu.memref_slice %arg3[%add3A_14, %dma_start3A_135, %dma_start3A_136] : memref<3200x2x100xi32, #tpu.memory_space<hbm>> -> memref<1x2x100xi32, #tpu.memory_space<hbm>>
      %dma_start3A_138 = tpu.memref_squeeze %dma_start3A_137 : memref<1x2x100xi32, #tpu.memory_space<hbm>> -> memref<2x100xi32, #tpu.memory_space<hbm>>
      tpu.enqueue_dma source(%dma_start3A_138 : memref<2x100xi32, #tpu.memory_space<hbm>>) target(%arg7 : memref<2x100xi32, #tpu.memory_space<vmem>>) target_semaphore(%run_scoped3A : memref<!tpu.dma_semaphore, #tpu.memory_space<semaphore_mem>>)
      %dma_wait3A_139 = arith.constant 0 : i32
      %dma_wait3A_140 = arith.constant 0 : i32
      %dma_wait3A_141 = tpu.memref_slice %arg3[%add3A_14, %dma_wait3A_139, %dma_wait3A_140] : memref<3200x2x100xi32, #tpu.memory_space<hbm>> -> memref<1x2x100xi32, #tpu.memory_space<hbm>>
      %dma_wait3A_142 = tpu.memref_squeeze %dma_wait3A_141 : memref<1x2x100xi32, #tpu.memory_space<hbm>> -> memref<2x100xi32, #tpu.memory_space<hbm>>
      %dma_wait3A_143 = arith.constant 0 : i32
      %dma_wait3A_144 = arith.constant 0 : i32
      %dma_wait3A_145 = tpu.memref_slice %arg3[%add3A_14, %dma_wait3A_143, %dma_wait3A_144] : memref<3200x2x100xi32, #tpu.memory_space<hbm>> -> memref<1x2x100xi32, #tpu.memory_space<hbm>>
      %dma_wait3A_146 = tpu.memref_squeeze %dma_wait3A_145 : memref<1x2x100xi32, #tpu.memory_space<hbm>> -> memref<2x100xi32, #tpu.memory_space<hbm>>
      tpu.wait_dma2 semaphore(%run_scoped3A : memref<!tpu.dma_semaphore, #tpu.memory_space<semaphore_mem>>) src(%dma_wait3A_146 : memref<2x100xi32, #tpu.memory_space<hbm>>) dst(%arg7 : memref<2x100xi32, #tpu.memory_space<vmem>>)
      tpu.yield
    }) : () -> ()
    %dma_start3A_15 = arith.constant 0 : i32
    %dma_start3A_16 = arith.constant 0 : i32
    %dma_start3A_17 = tpu.memref_slice %arg7[%dma_start3A_15, %dma_start3A_16] : memref<2x100xi32, #tpu.memory_space<vmem>> -> memref<1x100xi32, #tpu.memory_space<vmem>>
    %dma_start3A_18 = tpu.memref_squeeze %dma_start3A_17 : memref<1x100xi32, #tpu.memory_space<vmem>> -> memref<100xi32, #tpu.memory_space<vmem>>
    %dma_start3A_19 = arith.constant 0 : i32
    %dma_start3A_20 = arith.constant 0 : i32
    %dma_start3A_21 = tpu.memref_slice %arg2[%dma_start3A_19, %dma_start3A_20] : memref<10000x128xf32, #tpu.memory_space<hbm>> -> memref<10000x128xf32, #tpu.memory_space<hbm>>
    tpu.enqueue_indirect_dma source(%dma_start3A_21 : memref<10000x128xf32, #tpu.memory_space<hbm>>) target(%arg10 : memref<100x128xf32, #tpu.memory_space<vmem>>) offsets(%dma_start3A_18 : memref<100xi32, #tpu.memory_space<vmem>>) semaphore(%arg14 : memref<!tpu.dma_semaphore, #tpu.memory_space<semaphore_mem>>)
    %add3A_22 = arith.constant 2 : i32
    %add3A_23 = arith.addi %mul3A_2, %add3A_22 : i32
    "tpu.region"() ({
      %run_scoped3A = tpu.sem_alloc : memref<!tpu.dma_semaphore, #tpu.memory_space<semaphore_mem>>
      %dma_start3A_131 = arith.constant 0 : i32
      %dma_start3A_132 = arith.constant 0 : i32
      %dma_start3A_133 = tpu.memref_slice %arg3[%add3A_23, %dma_start3A_131, %dma_start3A_132] : memref<3200x2x100xi32, #tpu.memory_space<hbm>> -> memref<1x2x100xi32, #tpu.memory_space<hbm>>
      %dma_start3A_134 = tpu.memref_squeeze %dma_start3A_133 : memref<1x2x100xi32, #tpu.memory_space<hbm>> -> memref<2x100xi32, #tpu.memory_space<hbm>>
      %dma_start3A_135 = arith.constant 0 : i32
      %dma_start3A_136 = arith.constant 0 : i32
      %dma_start3A_137 = tpu.memref_slice %arg3[%add3A_23, %dma_start3A_135, %dma_start3A_136] : memref<3200x2x100xi32, #tpu.memory_space<hbm>> -> memref<1x2x100xi32, #tpu.memory_space<hbm>>
      %dma_start3A_138 = tpu.memref_squeeze %dma_start3A_137 : memref<1x2x100xi32, #tpu.memory_space<hbm>> -> memref<2x100xi32, #tpu.memory_space<hbm>>
      tpu.enqueue_dma source(%dma_start3A_138 : memref<2x100xi32, #tpu.memory_space<hbm>>) target(%arg8 : memref<2x100xi32, #tpu.memory_space<vmem>>) target_semaphore(%run_scoped3A : memref<!tpu.dma_semaphore, #tpu.memory_space<semaphore_mem>>)
      %dma_wait3A_139 = arith.constant 0 : i32
      %dma_wait3A_140 = arith.constant 0 : i32
      %dma_wait3A_141 = tpu.memref_slice %arg3[%add3A_23, %dma_wait3A_139, %dma_wait3A_140] : memref<3200x2x100xi32, #tpu.memory_space<hbm>> -> memref<1x2x100xi32, #tpu.memory_space<hbm>>
      %dma_wait3A_142 = tpu.memref_squeeze %dma_wait3A_141 : memref<1x2x100xi32, #tpu.memory_space<hbm>> -> memref<2x100xi32, #tpu.memory_space<hbm>>
      %dma_wait3A_143 = arith.constant 0 : i32
      %dma_wait3A_144 = arith.constant 0 : i32
      %dma_wait3A_145 = tpu.memref_slice %arg3[%add3A_23, %dma_wait3A_143, %dma_wait3A_144] : memref<3200x2x100xi32, #tpu.memory_space<hbm>> -> memref<1x2x100xi32, #tpu.memory_space<hbm>>
      %dma_wait3A_146 = tpu.memref_squeeze %dma_wait3A_145 : memref<1x2x100xi32, #tpu.memory_space<hbm>> -> memref<2x100xi32, #tpu.memory_space<hbm>>
      tpu.wait_dma2 semaphore(%run_scoped3A : memref<!tpu.dma_semaphore, #tpu.memory_space<semaphore_mem>>) src(%dma_wait3A_146 : memref<2x100xi32, #tpu.memory_space<hbm>>) dst(%arg8 : memref<2x100xi32, #tpu.memory_space<vmem>>)
      tpu.yield
    }) : () -> ()
    %dma_start3A_24 = arith.constant 0 : i32
    %dma_start3A_25 = arith.constant 0 : i32
    %dma_start3A_26 = tpu.memref_slice %arg8[%dma_start3A_24, %dma_start3A_25] : memref<2x100xi32, #tpu.memory_space<vmem>> -> memref<1x100xi32, #tpu.memory_space<vmem>>
    %dma_start3A_27 = tpu.memref_squeeze %dma_start3A_26 : memref<1x100xi32, #tpu.memory_space<vmem>> -> memref<100xi32, #tpu.memory_space<vmem>>
    %dma_start3A_28 = arith.constant 0 : i32
    %dma_start3A_29 = arith.constant 0 : i32
    %dma_start3A_30 = tpu.memref_slice %arg2[%dma_start3A_28, %dma_start3A_29] : memref<10000x128xf32, #tpu.memory_space<hbm>> -> memref<10000x128xf32, #tpu.memory_space<hbm>>
    tpu.enqueue_indirect_dma source(%dma_start3A_30 : memref<10000x128xf32, #tpu.memory_space<hbm>>) target(%arg11 : memref<100x128xf32, #tpu.memory_space<vmem>>) offsets(%dma_start3A_27 : memref<100xi32, #tpu.memory_space<vmem>>) semaphore(%arg15 : memref<!tpu.dma_semaphore, #tpu.memory_space<semaphore_mem>>)
    %scan3A = arith.constant 0 : i32
    %scan3A_31 = arith.constant 32 : i32
    %scan3A_32 = arith.addi %scan3A, %scan3A_31 : i32
    %scan3A_33 = arith.constant 1 : i32
    scf.for %scan3A_131 = %scan3A to %scan3A_32 step %scan3A_33  : i32 {
      %mul3A_132 = arith.constant 3 : i32
      %mul3A_133 = arith.muli %scan3A_131, %mul3A_132 : i32
      %add3A_134 = arith.constant 0 : i32
      %add3A_135 = arith.addi %add3A_134, %mul3A_133 : i32
      %dma_wait3A_136 = arith.constant 0 : i32
      %dma_wait3A_137 = arith.constant 0 : i32
      %dma_wait3A_138 = tpu.memref_slice %arg6[%dma_wait3A_136, %dma_wait3A_137] : memref<2x100xi32, #tpu.memory_space<vmem>> -> memref<1x100xi32, #tpu.memory_space<vmem>>
      %dma_wait3A_139 = tpu.memref_squeeze %dma_wait3A_138 : memref<1x100xi32, #tpu.memory_space<vmem>> -> memref<100xi32, #tpu.memory_space<vmem>>
      %dma_wait3A_140 = arith.constant 0 : i32
      %dma_wait3A_141 = arith.constant 0 : i32
      %dma_wait3A_142 = tpu.memref_slice %arg2[%dma_wait3A_140, %dma_wait3A_141] : memref<10000x128xf32, #tpu.memory_space<hbm>> -> memref<10000x128xf32, #tpu.memory_space<hbm>>
      tpu.wait_indirect_dma semaphore(%arg13 : memref<!tpu.dma_semaphore, #tpu.memory_space<semaphore_mem>>) src(%dma_wait3A_142 : memref<10000x128xf32, #tpu.memory_space<hbm>>) dst(%arg9 : memref<100x128xf32, #tpu.memory_space<vmem>>)
      %dma_start3A_143 = arith.constant 1 : i32
      %dma_start3A_144 = arith.constant 0 : i32
      %dma_start3A_145 = tpu.memref_slice %arg6[%dma_start3A_143, %dma_start3A_144] : memref<2x100xi32, #tpu.memory_space<vmem>> -> memref<1x100xi32, #tpu.memory_space<vmem>>
      %dma_start3A_146 = tpu.memref_squeeze %dma_start3A_145 : memref<1x100xi32, #tpu.memory_space<vmem>> -> memref<100xi32, #tpu.memory_space<vmem>>
      %dma_start3A_147 = arith.constant 0 : i32
      %dma_start3A_148 = arith.constant 0 : i32
      %dma_start3A_149 = tpu.memref_slice %arg12[%dma_start3A_147, %dma_start3A_148] : memref<10272x128xf32, #tpu.memory_space<vmem_shared>> -> memref<10272x128xf32, #tpu.memory_space<vmem_shared>>
      tpu.enqueue_indirect_dma source(%arg9 : memref<100x128xf32, #tpu.memory_space<vmem>>) target(%dma_start3A_149 : memref<10272x128xf32, #tpu.memory_space<vmem_shared>>) offsets(%dma_start3A_146 : memref<100xi32, #tpu.memory_space<vmem>>) semaphore(%arg16 : memref<!tpu.dma_semaphore, #tpu.memory_space<semaphore_mem>>) {add = true}
      %dma_wait3A_150 = arith.constant 0 : i32
      %dma_wait3A_151 = arith.constant 0 : i32
      %dma_wait3A_152 = tpu.memref_slice %arg7[%dma_wait3A_150, %dma_wait3A_151] : memref<2x100xi32, #tpu.memory_space<vmem>> -> memref<1x100xi32, #tpu.memory_space<vmem>>
      %dma_wait3A_153 = tpu.memref_squeeze %dma_wait3A_152 : memref<1x100xi32, #tpu.memory_space<vmem>> -> memref<100xi32, #tpu.memory_space<vmem>>
      %dma_wait3A_154 = arith.constant 0 : i32
      %dma_wait3A_155 = arith.constant 0 : i32
      %dma_wait3A_156 = tpu.memref_slice %arg2[%dma_wait3A_154, %dma_wait3A_155] : memref<10000x128xf32, #tpu.memory_space<hbm>> -> memref<10000x128xf32, #tpu.memory_space<hbm>>
      tpu.wait_indirect_dma semaphore(%arg14 : memref<!tpu.dma_semaphore, #tpu.memory_space<semaphore_mem>>) src(%dma_wait3A_156 : memref<10000x128xf32, #tpu.memory_space<hbm>>) dst(%arg10 : memref<100x128xf32, #tpu.memory_space<vmem>>)
      %dma_start3A_157 = arith.constant 1 : i32
      %dma_start3A_158 = arith.constant 0 : i32
      %dma_start3A_159 = tpu.memref_slice %arg7[%dma_start3A_157, %dma_start3A_158] : memref<2x100xi32, #tpu.memory_space<vmem>> -> memref<1x100xi32, #tpu.memory_space<vmem>>
      %dma_start3A_160 = tpu.memref_squeeze %dma_start3A_159 : memref<1x100xi32, #tpu.memory_space<vmem>> -> memref<100xi32, #tpu.memory_space<vmem>>
      %dma_start3A_161 = arith.constant 0 : i32
      %dma_start3A_162 = arith.constant 0 : i32
      %dma_start3A_163 = tpu.memref_slice %arg12[%dma_start3A_161, %dma_start3A_162] : memref<10272x128xf32, #tpu.memory_space<vmem_shared>> -> memref<10272x128xf32, #tpu.memory_space<vmem_shared>>
      tpu.enqueue_indirect_dma source(%arg10 : memref<100x128xf32, #tpu.memory_space<vmem>>) target(%dma_start3A_163 : memref<10272x128xf32, #tpu.memory_space<vmem_shared>>) offsets(%dma_start3A_160 : memref<100xi32, #tpu.memory_space<vmem>>) semaphore(%arg17 : memref<!tpu.dma_semaphore, #tpu.memory_space<semaphore_mem>>) {add = true}
      %dma_wait3A_164 = arith.constant 0 : i32
      %dma_wait3A_165 = arith.constant 0 : i32
      %dma_wait3A_166 = tpu.memref_slice %arg8[%dma_wait3A_164, %dma_wait3A_165] : memref<2x100xi32, #tpu.memory_space<vmem>> -> memref<1x100xi32, #tpu.memory_space<vmem>>
      %dma_wait3A_167 = tpu.memref_squeeze %dma_wait3A_166 : memref<1x100xi32, #tpu.memory_space<vmem>> -> memref<100xi32, #tpu.memory_space<vmem>>
      %dma_wait3A_168 = arith.constant 0 : i32
      %dma_wait3A_169 = arith.constant 0 : i32
      %dma_wait3A_170 = tpu.memref_slice %arg2[%dma_wait3A_168, %dma_wait3A_169] : memref<10000x128xf32, #tpu.memory_space<hbm>> -> memref<10000x128xf32, #tpu.memory_space<hbm>>
      tpu.wait_indirect_dma semaphore(%arg15 : memref<!tpu.dma_semaphore, #tpu.memory_space<semaphore_mem>>) src(%dma_wait3A_170 : memref<10000x128xf32, #tpu.memory_space<hbm>>) dst(%arg11 : memref<100x128xf32, #tpu.memory_space<vmem>>)
      %dma_start3A_171 = arith.constant 1 : i32
      %dma_start3A_172 = arith.constant 0 : i32
      %dma_start3A_173 = tpu.memref_slice %arg8[%dma_start3A_171, %dma_start3A_172] : memref<2x100xi32, #tpu.memory_space<vmem>> -> memref<1x100xi32, #tpu.memory_space<vmem>>
      %dma_start3A_174 = tpu.memref_squeeze %dma_start3A_173 : memref<1x100xi32, #tpu.memory_space<vmem>> -> memref<100xi32, #tpu.memory_space<vmem>>
      %dma_start3A_175 = arith.constant 0 : i32
      %dma_start3A_176 = arith.constant 0 : i32
      %dma_start3A_177 = tpu.memref_slice %arg12[%dma_start3A_175, %dma_start3A_176] : memref<10272x128xf32, #tpu.memory_space<vmem_shared>> -> memref<10272x128xf32, #tpu.memory_space<vmem_shared>>
      tpu.enqueue_indirect_dma source(%arg11 : memref<100x128xf32, #tpu.memory_space<vmem>>) target(%dma_start3A_177 : memref<10272x128xf32, #tpu.memory_space<vmem_shared>>) offsets(%dma_start3A_174 : memref<100xi32, #tpu.memory_space<vmem>>) semaphore(%arg18 : memref<!tpu.dma_semaphore, #tpu.memory_space<semaphore_mem>>) {add = true}
      %dma_wait3A_178 = arith.constant 1 : i32
      %dma_wait3A_179 = arith.constant 0 : i32
      %dma_wait3A_180 = tpu.memref_slice %arg6[%dma_wait3A_178, %dma_wait3A_179] : memref<2x100xi32, #tpu.memory_space<vmem>> -> memref<1x100xi32, #tpu.memory_space<vmem>>
      %dma_wait3A_181 = tpu.memref_squeeze %dma_wait3A_180 : memref<1x100xi32, #tpu.memory_space<vmem>> -> memref<100xi32, #tpu.memory_space<vmem>>
      %dma_wait3A_182 = arith.constant 0 : i32
      %dma_wait3A_183 = arith.constant 0 : i32
      %dma_wait3A_184 = tpu.memref_slice %arg12[%dma_wait3A_182, %dma_wait3A_183] : memref<10272x128xf32, #tpu.memory_space<vmem_shared>> -> memref<10272x128xf32, #tpu.memory_space<vmem_shared>>
      tpu.wait_indirect_dma semaphore(%arg16 : memref<!tpu.dma_semaphore, #tpu.memory_space<semaphore_mem>>) src(%arg9 : memref<100x128xf32, #tpu.memory_space<vmem>>) dst(%dma_wait3A_184 : memref<10272x128xf32, #tpu.memory_space<vmem_shared>>)
      %add3A_185 = arith.constant 3 : i32
      %add3A_186 = arith.addi %add3A_135, %add3A_185 : i32
      %add3A_187 = arith.constant 0 : i32
      %add3A_188 = arith.addi %add3A_186, %add3A_187 : i32
      %add3A_189 = arith.addi %mul3A_2, %add3A_188 : i32
      "tpu.region"() ({
        %run_scoped3A = tpu.sem_alloc : memref<!tpu.dma_semaphore, #tpu.memory_space<semaphore_mem>>
        %dma_start3A_235 = arith.constant 0 : i32
        %dma_start3A_236 = arith.constant 0 : i32
        %dma_start3A_237 = tpu.memref_slice %arg3[%add3A_189, %dma_start3A_235, %dma_start3A_236] : memref<3200x2x100xi32, #tpu.memory_space<hbm>> -> memref<1x2x100xi32, #tpu.memory_space<hbm>>
        %dma_start3A_238 = tpu.memref_squeeze %dma_start3A_237 : memref<1x2x100xi32, #tpu.memory_space<hbm>> -> memref<2x100xi32, #tpu.memory_space<hbm>>
        %dma_start3A_239 = arith.constant 0 : i32
        %dma_start3A_240 = arith.constant 0 : i32
        %dma_start3A_241 = tpu.memref_slice %arg3[%add3A_189, %dma_start3A_239, %dma_start3A_240] : memref<3200x2x100xi32, #tpu.memory_space<hbm>> -> memref<1x2x100xi32, #tpu.memory_space<hbm>>
        %dma_start3A_242 = tpu.memref_squeeze %dma_start3A_241 : memref<1x2x100xi32, #tpu.memory_space<hbm>> -> memref<2x100xi32, #tpu.memory_space<hbm>>
        tpu.enqueue_dma source(%dma_start3A_242 : memref<2x100xi32, #tpu.memory_space<hbm>>) target(%arg6 : memref<2x100xi32, #tpu.memory_space<vmem>>) target_semaphore(%run_scoped3A : memref<!tpu.dma_semaphore, #tpu.memory_space<semaphore_mem>>)
        %dma_wait3A_243 = arith.constant 0 : i32
        %dma_wait3A_244 = arith.constant 0 : i32
        %dma_wait3A_245 = tpu.memref_slice %arg3[%add3A_189, %dma_wait3A_243, %dma_wait3A_244] : memref<3200x2x100xi32, #tpu.memory_space<hbm>> -> memref<1x2x100xi32, #tpu.memory_space<hbm>>
        %dma_wait3A_246 = tpu.memref_squeeze %dma_wait3A_245 : memref<1x2x100xi32, #tpu.memory_space<hbm>> -> memref<2x100xi32, #tpu.memory_space<hbm>>
        %dma_wait3A_247 = arith.constant 0 : i32
        %dma_wait3A_248 = arith.constant 0 : i32
        %dma_wait3A_249 = tpu.memref_slice %arg3[%add3A_189, %dma_wait3A_247, %dma_wait3A_248] : memref<3200x2x100xi32, #tpu.memory_space<hbm>> -> memref<1x2x100xi32, #tpu.memory_space<hbm>>
        %dma_wait3A_250 = tpu.memref_squeeze %dma_wait3A_249 : memref<1x2x100xi32, #tpu.memory_space<hbm>> -> memref<2x100xi32, #tpu.memory_space<hbm>>
        tpu.wait_dma2 semaphore(%run_scoped3A : memref<!tpu.dma_semaphore, #tpu.memory_space<semaphore_mem>>) src(%dma_wait3A_250 : memref<2x100xi32, #tpu.memory_space<hbm>>) dst(%arg6 : memref<2x100xi32, #tpu.memory_space<vmem>>)
        tpu.yield
      }) : () -> ()
      %dma_start3A_190 = arith.constant 0 : i32
      %dma_start3A_191 = arith.constant 0 : i32
      %dma_start3A_192 = tpu.memref_slice %arg6[%dma_start3A_190, %dma_start3A_191] : memref<2x100xi32, #tpu.memory_space<vmem>> -> memref<1x100xi32, #tpu.memory_space<vmem>>
      %dma_start3A_193 = tpu.memref_squeeze %dma_start3A_192 : memref<1x100xi32, #tpu.memory_space<vmem>> -> memref<100xi32, #tpu.memory_space<vmem>>
      %dma_start3A_194 = arith.constant 0 : i32
      %dma_start3A_195 = arith.constant 0 : i32
      %dma_start3A_196 = tpu.memref_slice %arg2[%dma_start3A_194, %dma_start3A_195] : memref<10000x128xf32, #tpu.memory_space<hbm>> -> memref<10000x128xf32, #tpu.memory_space<hbm>>
      tpu.enqueue_indirect_dma source(%dma_start3A_196 : memref<10000x128xf32, #tpu.memory_space<hbm>>) target(%arg9 : memref<100x128xf32, #tpu.memory_space<vmem>>) offsets(%dma_start3A_193 : memref<100xi32, #tpu.memory_space<vmem>>) semaphore(%arg13 : memref<!tpu.dma_semaphore, #tpu.memory_space<semaphore_mem>>)
      %dma_wait3A_197 = arith.constant 1 : i32
      %dma_wait3A_198 = arith.constant 0 : i32
      %dma_wait3A_199 = tpu.memref_slice %arg7[%dma_wait3A_197, %dma_wait3A_198] : memref<2x100xi32, #tpu.memory_space<vmem>> -> memref<1x100xi32, #tpu.memory_space<vmem>>
      %dma_wait3A_200 = tpu.memref_squeeze %dma_wait3A_199 : memref<1x100xi32, #tpu.memory_space<vmem>> -> memref<100xi32, #tpu.memory_space<vmem>>
      %dma_wait3A_201 = arith.constant 0 : i32
      %dma_wait3A_202 = arith.constant 0 : i32
      %dma_wait3A_203 = tpu.memref_slice %arg12[%dma_wait3A_201, %dma_wait3A_202] : memref<10272x128xf32, #tpu.memory_space<vmem_shared>> -> memref<10272x128xf32, #tpu.memory_space<vmem_shared>>
      tpu.wait_indirect_dma semaphore(%arg17 : memref<!tpu.dma_semaphore, #tpu.memory_space<semaphore_mem>>) src(%arg10 : memref<100x128xf32, #tpu.memory_space<vmem>>) dst(%dma_wait3A_203 : memref<10272x128xf32, #tpu.memory_space<vmem_shared>>)
      %add3A_204 = arith.constant 3 : i32
      %add3A_205 = arith.addi %add3A_135, %add3A_204 : i32
      %add3A_206 = arith.constant 1 : i32
      %add3A_207 = arith.addi %add3A_205, %add3A_206 : i32
      %add3A_208 = arith.addi %mul3A_2, %add3A_207 : i32
      "tpu.region"() ({
        %run_scoped3A = tpu.sem_alloc : memref<!tpu.dma_semaphore, #tpu.memory_space<semaphore_mem>>
        %dma_start3A_235 = arith.constant 0 : i32
        %dma_start3A_236 = arith.constant 0 : i32
        %dma_start3A_237 = tpu.memref_slice %arg3[%add3A_208, %dma_start3A_235, %dma_start3A_236] : memref<3200x2x100xi32, #tpu.memory_space<hbm>> -> memref<1x2x100xi32, #tpu.memory_space<hbm>>
        %dma_start3A_238 = tpu.memref_squeeze %dma_start3A_237 : memref<1x2x100xi32, #tpu.memory_space<hbm>> -> memref<2x100xi32, #tpu.memory_space<hbm>>
        %dma_start3A_239 = arith.constant 0 : i32
        %dma_start3A_240 = arith.constant 0 : i32
        %dma_start3A_241 = tpu.memref_slice %arg3[%add3A_208, %dma_start3A_239, %dma_start3A_240] : memref<3200x2x100xi32, #tpu.memory_space<hbm>> -> memref<1x2x100xi32, #tpu.memory_space<hbm>>
        %dma_start3A_242 = tpu.memref_squeeze %dma_start3A_241 : memref<1x2x100xi32, #tpu.memory_space<hbm>> -> memref<2x100xi32, #tpu.memory_space<hbm>>
        tpu.enqueue_dma source(%dma_start3A_242 : memref<2x100xi32, #tpu.memory_space<hbm>>) target(%arg7 : memref<2x100xi32, #tpu.memory_space<vmem>>) target_semaphore(%run_scoped3A : memref<!tpu.dma_semaphore, #tpu.memory_space<semaphore_mem>>)
        %dma_wait3A_243 = arith.constant 0 : i32
        %dma_wait3A_244 = arith.constant 0 : i32
        %dma_wait3A_245 = tpu.memref_slice %arg3[%add3A_208, %dma_wait3A_243, %dma_wait3A_244] : memref<3200x2x100xi32, #tpu.memory_space<hbm>> -> memref<1x2x100xi32, #tpu.memory_space<hbm>>
        %dma_wait3A_246 = tpu.memref_squeeze %dma_wait3A_245 : memref<1x2x100xi32, #tpu.memory_space<hbm>> -> memref<2x100xi32, #tpu.memory_space<hbm>>
        %dma_wait3A_247 = arith.constant 0 : i32
        %dma_wait3A_248 = arith.constant 0 : i32
        %dma_wait3A_249 = tpu.memref_slice %arg3[%add3A_208, %dma_wait3A_247, %dma_wait3A_248] : memref<3200x2x100xi32, #tpu.memory_space<hbm>> -> memref<1x2x100xi32, #tpu.memory_space<hbm>>
        %dma_wait3A_250 = tpu.memref_squeeze %dma_wait3A_249 : memref<1x2x100xi32, #tpu.memory_space<hbm>> -> memref<2x100xi32, #tpu.memory_space<hbm>>
        tpu.wait_dma2 semaphore(%run_scoped3A : memref<!tpu.dma_semaphore, #tpu.memory_space<semaphore_mem>>) src(%dma_wait3A_250 : memref<2x100xi32, #tpu.memory_space<hbm>>) dst(%arg7 : memref<2x100xi32, #tpu.memory_space<vmem>>)
        tpu.yield
      }) : () -> ()
      %dma_start3A_209 = arith.constant 0 : i32
      %dma_start3A_210 = arith.constant 0 : i32
      %dma_start3A_211 = tpu.memref_slice %arg7[%dma_start3A_209, %dma_start3A_210] : memref<2x100xi32, #tpu.memory_space<vmem>> -> memref<1x100xi32, #tpu.memory_space<vmem>>
      %dma_start3A_212 = tpu.memref_squeeze %dma_start3A_211 : memref<1x100xi32, #tpu.memory_space<vmem>> -> memref<100xi32, #tpu.memory_space<vmem>>
      %dma_start3A_213 = arith.constant 0 : i32
      %dma_start3A_214 = arith.constant 0 : i32
      %dma_start3A_215 = tpu.memref_slice %arg2[%dma_start3A_213, %dma_start3A_214] : memref<10000x128xf32, #tpu.memory_space<hbm>> -> memref<10000x128xf32, #tpu.memory_space<hbm>>
      tpu.enqueue_indirect_dma source(%dma_start3A_215 : memref<10000x128xf32, #tpu.memory_space<hbm>>) target(%arg10 : memref<100x128xf32, #tpu.memory_space<vmem>>) offsets(%dma_start3A_212 : memref<100xi32, #tpu.memory_space<vmem>>) semaphore(%arg14 : memref<!tpu.dma_semaphore, #tpu.memory_space<semaphore_mem>>)
      %dma_wait3A_216 = arith.constant 1 : i32
      %dma_wait3A_217 = arith.constant 0 : i32
      %dma_wait3A_218 = tpu.memref_slice %arg8[%dma_wait3A_216, %dma_wait3A_217] : memref<2x100xi32, #tpu.memory_space<vmem>> -> memref<1x100xi32, #tpu.memory_space<vmem>>
      %dma_wait3A_219 = tpu.memref_squeeze %dma_wait3A_218 : memref<1x100xi32, #tpu.memory_space<vmem>> -> memref<100xi32, #tpu.memory_space<vmem>>
      %dma_wait3A_220 = arith.constant 0 : i32
      %dma_wait3A_221 = arith.constant 0 : i32
      %dma_wait3A_222 = tpu.memref_slice %arg12[%dma_wait3A_220, %dma_wait3A_221] : memref<10272x128xf32, #tpu.memory_space<vmem_shared>> -> memref<10272x128xf32, #tpu.memory_space<vmem_shared>>
      tpu.wait_indirect_dma semaphore(%arg18 : memref<!tpu.dma_semaphore, #tpu.memory_space<semaphore_mem>>) src(%arg11 : memref<100x128xf32, #tpu.memory_space<vmem>>) dst(%dma_wait3A_222 : memref<10272x128xf32, #tpu.memory_space<vmem_shared>>)
      %add3A_223 = arith.constant 3 : i32
      %add3A_224 = arith.addi %add3A_135, %add3A_223 : i32
      %add3A_225 = arith.constant 2 : i32
      %add3A_226 = arith.addi %add3A_224, %add3A_225 : i32
      %add3A_227 = arith.addi %mul3A_2, %add3A_226 : i32
      "tpu.region"() ({
        %run_scoped3A = tpu.sem_alloc : memref<!tpu.dma_semaphore, #tpu.memory_space<semaphore_mem>>
        %dma_start3A_235 = arith.constant 0 : i32
        %dma_start3A_236 = arith.constant 0 : i32
        %dma_start3A_237 = tpu.memref_slice %arg3[%add3A_227, %dma_start3A_235, %dma_start3A_236] : memref<3200x2x100xi32, #tpu.memory_space<hbm>> -> memref<1x2x100xi32, #tpu.memory_space<hbm>>
        %dma_start3A_238 = tpu.memref_squeeze %dma_start3A_237 : memref<1x2x100xi32, #tpu.memory_space<hbm>> -> memref<2x100xi32, #tpu.memory_space<hbm>>
        %dma_start3A_239 = arith.constant 0 : i32
        %dma_start3A_240 = arith.constant 0 : i32
        %dma_start3A_241 = tpu.memref_slice %arg3[%add3A_227, %dma_start3A_239, %dma_start3A_240] : memref<3200x2x100xi32, #tpu.memory_space<hbm>> -> memref<1x2x100xi32, #tpu.memory_space<hbm>>
        %dma_start3A_242 = tpu.memref_squeeze %dma_start3A_241 : memref<1x2x100xi32, #tpu.memory_space<hbm>> -> memref<2x100xi32, #tpu.memory_space<hbm>>
        tpu.enqueue_dma source(%dma_start3A_242 : memref<2x100xi32, #tpu.memory_space<hbm>>) target(%arg8 : memref<2x100xi32, #tpu.memory_space<vmem>>) target_semaphore(%run_scoped3A : memref<!tpu.dma_semaphore, #tpu.memory_space<semaphore_mem>>)
        %dma_wait3A_243 = arith.constant 0 : i32
        %dma_wait3A_244 = arith.constant 0 : i32
        %dma_wait3A_245 = tpu.memref_slice %arg3[%add3A_227, %dma_wait3A_243, %dma_wait3A_244] : memref<3200x2x100xi32, #tpu.memory_space<hbm>> -> memref<1x2x100xi32, #tpu.memory_space<hbm>>
        %dma_wait3A_246 = tpu.memref_squeeze %dma_wait3A_245 : memref<1x2x100xi32, #tpu.memory_space<hbm>> -> memref<2x100xi32, #tpu.memory_space<hbm>>
        %dma_wait3A_247 = arith.constant 0 : i32
        %dma_wait3A_248 = arith.constant 0 : i32
        %dma_wait3A_249 = tpu.memref_slice %arg3[%add3A_227, %dma_wait3A_247, %dma_wait3A_248] : memref<3200x2x100xi32, #tpu.memory_space<hbm>> -> memref<1x2x100xi32, #tpu.memory_space<hbm>>
        %dma_wait3A_250 = tpu.memref_squeeze %dma_wait3A_249 : memref<1x2x100xi32, #tpu.memory_space<hbm>> -> memref<2x100xi32, #tpu.memory_space<hbm>>
        tpu.wait_dma2 semaphore(%run_scoped3A : memref<!tpu.dma_semaphore, #tpu.memory_space<semaphore_mem>>) src(%dma_wait3A_250 : memref<2x100xi32, #tpu.memory_space<hbm>>) dst(%arg8 : memref<2x100xi32, #tpu.memory_space<vmem>>)
        tpu.yield
      }) : () -> ()
      %dma_start3A_228 = arith.constant 0 : i32
      %dma_start3A_229 = arith.constant 0 : i32
      %dma_start3A_230 = tpu.memref_slice %arg8[%dma_start3A_228, %dma_start3A_229] : memref<2x100xi32, #tpu.memory_space<vmem>> -> memref<1x100xi32, #tpu.memory_space<vmem>>
      %dma_start3A_231 = tpu.memref_squeeze %dma_start3A_230 : memref<1x100xi32, #tpu.memory_space<vmem>> -> memref<100xi32, #tpu.memory_space<vmem>>
      %dma_start3A_232 = arith.constant 0 : i32
      %dma_start3A_233 = arith.constant 0 : i32
      %dma_start3A_234 = tpu.memref_slice %arg2[%dma_start3A_232, %dma_start3A_233] : memref<10000x128xf32, #tpu.memory_space<hbm>> -> memref<10000x128xf32, #tpu.memory_space<hbm>>
      tpu.enqueue_indirect_dma source(%dma_start3A_234 : memref<10000x128xf32, #tpu.memory_space<hbm>>) target(%arg11 : memref<100x128xf32, #tpu.memory_space<vmem>>) offsets(%dma_start3A_231 : memref<100xi32, #tpu.memory_space<vmem>>) semaphore(%arg15 : memref<!tpu.dma_semaphore, #tpu.memory_space<semaphore_mem>>)
    }
    %scan3A_34 = arith.constant 32 : i32
    %dma_wait3A = arith.constant 0 : i32
    %dma_wait3A_35 = arith.constant 0 : i32
    %dma_wait3A_36 = tpu.memref_slice %arg6[%dma_wait3A, %dma_wait3A_35] : memref<2x100xi32, #tpu.memory_space<vmem>> -> memref<1x100xi32, #tpu.memory_space<vmem>>
    %dma_wait3A_37 = tpu.memref_squeeze %dma_wait3A_36 : memref<1x100xi32, #tpu.memory_space<vmem>> -> memref<100xi32, #tpu.memory_space<vmem>>
    %dma_wait3A_38 = arith.constant 0 : i32
    %dma_wait3A_39 = arith.constant 0 : i32
    %dma_wait3A_40 = tpu.memref_slice %arg2[%dma_wait3A_38, %dma_wait3A_39] : memref<10000x128xf32, #tpu.memory_space<hbm>> -> memref<10000x128xf32, #tpu.memory_space<hbm>>
    tpu.wait_indirect_dma semaphore(%arg13 : memref<!tpu.dma_semaphore, #tpu.memory_space<semaphore_mem>>) src(%dma_wait3A_40 : memref<10000x128xf32, #tpu.memory_space<hbm>>) dst(%arg9 : memref<100x128xf32, #tpu.memory_space<vmem>>)
    %dma_start3A_41 = arith.constant 1 : i32
    %dma_start3A_42 = arith.constant 0 : i32
    %dma_start3A_43 = tpu.memref_slice %arg6[%dma_start3A_41, %dma_start3A_42] : memref<2x100xi32, #tpu.memory_space<vmem>> -> memref<1x100xi32, #tpu.memory_space<vmem>>
    %dma_start3A_44 = tpu.memref_squeeze %dma_start3A_43 : memref<1x100xi32, #tpu.memory_space<vmem>> -> memref<100xi32, #tpu.memory_space<vmem>>
    %dma_start3A_45 = arith.constant 0 : i32
    %dma_start3A_46 = arith.constant 0 : i32
    %dma_start3A_47 = tpu.memref_slice %arg12[%dma_start3A_45, %dma_start3A_46] : memref<10272x128xf32, #tpu.memory_space<vmem_shared>> -> memref<10272x128xf32, #tpu.memory_space<vmem_shared>>
    tpu.enqueue_indirect_dma source(%arg9 : memref<100x128xf32, #tpu.memory_space<vmem>>) target(%dma_start3A_47 : memref<10272x128xf32, #tpu.memory_space<vmem_shared>>) offsets(%dma_start3A_44 : memref<100xi32, #tpu.memory_space<vmem>>) semaphore(%arg16 : memref<!tpu.dma_semaphore, #tpu.memory_space<semaphore_mem>>) {add = true}
    %dma_wait3A_48 = arith.constant 0 : i32
    %dma_wait3A_49 = arith.constant 0 : i32
    %dma_wait3A_50 = tpu.memref_slice %arg7[%dma_wait3A_48, %dma_wait3A_49] : memref<2x100xi32, #tpu.memory_space<vmem>> -> memref<1x100xi32, #tpu.memory_space<vmem>>
    %dma_wait3A_51 = tpu.memref_squeeze %dma_wait3A_50 : memref<1x100xi32, #tpu.memory_space<vmem>> -> memref<100xi32, #tpu.memory_space<vmem>>
    %dma_wait3A_52 = arith.constant 0 : i32
    %dma_wait3A_53 = arith.constant 0 : i32
    %dma_wait3A_54 = tpu.memref_slice %arg2[%dma_wait3A_52, %dma_wait3A_53] : memref<10000x128xf32, #tpu.memory_space<hbm>> -> memref<10000x128xf32, #tpu.memory_space<hbm>>
    tpu.wait_indirect_dma semaphore(%arg14 : memref<!tpu.dma_semaphore, #tpu.memory_space<semaphore_mem>>) src(%dma_wait3A_54 : memref<10000x128xf32, #tpu.memory_space<hbm>>) dst(%arg10 : memref<100x128xf32, #tpu.memory_space<vmem>>)
    %dma_start3A_55 = arith.constant 1 : i32
    %dma_start3A_56 = arith.constant 0 : i32
    %dma_start3A_57 = tpu.memref_slice %arg7[%dma_start3A_55, %dma_start3A_56] : memref<2x100xi32, #tpu.memory_space<vmem>> -> memref<1x100xi32, #tpu.memory_space<vmem>>
    %dma_start3A_58 = tpu.memref_squeeze %dma_start3A_57 : memref<1x100xi32, #tpu.memory_space<vmem>> -> memref<100xi32, #tpu.memory_space<vmem>>
    %dma_start3A_59 = arith.constant 0 : i32
    %dma_start3A_60 = arith.constant 0 : i32
    %dma_start3A_61 = tpu.memref_slice %arg12[%dma_start3A_59, %dma_start3A_60] : memref<10272x128xf32, #tpu.memory_space<vmem_shared>> -> memref<10272x128xf32, #tpu.memory_space<vmem_shared>>
    tpu.enqueue_indirect_dma source(%arg10 : memref<100x128xf32, #tpu.memory_space<vmem>>) target(%dma_start3A_61 : memref<10272x128xf32, #tpu.memory_space<vmem_shared>>) offsets(%dma_start3A_58 : memref<100xi32, #tpu.memory_space<vmem>>) semaphore(%arg17 : memref<!tpu.dma_semaphore, #tpu.memory_space<semaphore_mem>>) {add = true}
    %dma_wait3A_62 = arith.constant 0 : i32
    %dma_wait3A_63 = arith.constant 0 : i32
    %dma_wait3A_64 = tpu.memref_slice %arg8[%dma_wait3A_62, %dma_wait3A_63] : memref<2x100xi32, #tpu.memory_space<vmem>> -> memref<1x100xi32, #tpu.memory_space<vmem>>
    %dma_wait3A_65 = tpu.memref_squeeze %dma_wait3A_64 : memref<1x100xi32, #tpu.memory_space<vmem>> -> memref<100xi32, #tpu.memory_space<vmem>>
    %dma_wait3A_66 = arith.constant 0 : i32
    %dma_wait3A_67 = arith.constant 0 : i32
    %dma_wait3A_68 = tpu.memref_slice %arg2[%dma_wait3A_66, %dma_wait3A_67] : memref<10000x128xf32, #tpu.memory_space<hbm>> -> memref<10000x128xf32, #tpu.memory_space<hbm>>
    tpu.wait_indirect_dma semaphore(%arg15 : memref<!tpu.dma_semaphore, #tpu.memory_space<semaphore_mem>>) src(%dma_wait3A_68 : memref<10000x128xf32, #tpu.memory_space<hbm>>) dst(%arg11 : memref<100x128xf32, #tpu.memory_space<vmem>>)
    %dma_start3A_69 = arith.constant 1 : i32
    %dma_start3A_70 = arith.constant 0 : i32
    %dma_start3A_71 = tpu.memref_slice %arg8[%dma_start3A_69, %dma_start3A_70] : memref<2x100xi32, #tpu.memory_space<vmem>> -> memref<1x100xi32, #tpu.memory_space<vmem>>
    %dma_start3A_72 = tpu.memref_squeeze %dma_start3A_71 : memref<1x100xi32, #tpu.memory_space<vmem>> -> memref<100xi32, #tpu.memory_space<vmem>>
    %dma_start3A_73 = arith.constant 0 : i32
    %dma_start3A_74 = arith.constant 0 : i32
    %dma_start3A_75 = tpu.memref_slice %arg12[%dma_start3A_73, %dma_start3A_74] : memref<10272x128xf32, #tpu.memory_space<vmem_shared>> -> memref<10272x128xf32, #tpu.memory_space<vmem_shared>>
    tpu.enqueue_indirect_dma source(%arg11 : memref<100x128xf32, #tpu.memory_space<vmem>>) target(%dma_start3A_75 : memref<10272x128xf32, #tpu.memory_space<vmem_shared>>) offsets(%dma_start3A_72 : memref<100xi32, #tpu.memory_space<vmem>>) semaphore(%arg18 : memref<!tpu.dma_semaphore, #tpu.memory_space<semaphore_mem>>) {add = true}
    %dma_wait3A_76 = arith.constant 1 : i32
    %dma_wait3A_77 = arith.constant 0 : i32
    %dma_wait3A_78 = tpu.memref_slice %arg6[%dma_wait3A_76, %dma_wait3A_77] : memref<2x100xi32, #tpu.memory_space<vmem>> -> memref<1x100xi32, #tpu.memory_space<vmem>>
    %dma_wait3A_79 = tpu.memref_squeeze %dma_wait3A_78 : memref<1x100xi32, #tpu.memory_space<vmem>> -> memref<100xi32, #tpu.memory_space<vmem>>
    %dma_wait3A_80 = arith.constant 0 : i32
    %dma_wait3A_81 = arith.constant 0 : i32
    %dma_wait3A_82 = tpu.memref_slice %arg12[%dma_wait3A_80, %dma_wait3A_81] : memref<10272x128xf32, #tpu.memory_space<vmem_shared>> -> memref<10272x128xf32, #tpu.memory_space<vmem_shared>>
    tpu.wait_indirect_dma semaphore(%arg16 : memref<!tpu.dma_semaphore, #tpu.memory_space<semaphore_mem>>) src(%arg9 : memref<100x128xf32, #tpu.memory_space<vmem>>) dst(%dma_wait3A_82 : memref<10272x128xf32, #tpu.memory_space<vmem_shared>>)
    %add3A_83 = arith.constant 99 : i32
    %add3A_84 = arith.addi %mul3A_2, %add3A_83 : i32
    "tpu.region"() ({
      %run_scoped3A = tpu.sem_alloc : memref<!tpu.dma_semaphore, #tpu.memory_space<semaphore_mem>>
      %dma_start3A_131 = arith.constant 0 : i32
      %dma_start3A_132 = arith.constant 0 : i32
      %dma_start3A_133 = tpu.memref_slice %arg3[%add3A_84, %dma_start3A_131, %dma_start3A_132] : memref<3200x2x100xi32, #tpu.memory_space<hbm>> -> memref<1x2x100xi32, #tpu.memory_space<hbm>>
      %dma_start3A_134 = tpu.memref_squeeze %dma_start3A_133 : memref<1x2x100xi32, #tpu.memory_space<hbm>> -> memref<2x100xi32, #tpu.memory_space<hbm>>
      %dma_start3A_135 = arith.constant 0 : i32
      %dma_start3A_136 = arith.constant 0 : i32
      %dma_start3A_137 = tpu.memref_slice %arg3[%add3A_84, %dma_start3A_135, %dma_start3A_136] : memref<3200x2x100xi32, #tpu.memory_space<hbm>> -> memref<1x2x100xi32, #tpu.memory_space<hbm>>
      %dma_start3A_138 = tpu.memref_squeeze %dma_start3A_137 : memref<1x2x100xi32, #tpu.memory_space<hbm>> -> memref<2x100xi32, #tpu.memory_space<hbm>>
      tpu.enqueue_dma source(%dma_start3A_138 : memref<2x100xi32, #tpu.memory_space<hbm>>) target(%arg6 : memref<2x100xi32, #tpu.memory_space<vmem>>) target_semaphore(%run_scoped3A : memref<!tpu.dma_semaphore, #tpu.memory_space<semaphore_mem>>)
      %dma_wait3A_139 = arith.constant 0 : i32
      %dma_wait3A_140 = arith.constant 0 : i32
      %dma_wait3A_141 = tpu.memref_slice %arg3[%add3A_84, %dma_wait3A_139, %dma_wait3A_140] : memref<3200x2x100xi32, #tpu.memory_space<hbm>> -> memref<1x2x100xi32, #tpu.memory_space<hbm>>
      %dma_wait3A_142 = tpu.memref_squeeze %dma_wait3A_141 : memref<1x2x100xi32, #tpu.memory_space<hbm>> -> memref<2x100xi32, #tpu.memory_space<hbm>>
      %dma_wait3A_143 = arith.constant 0 : i32
      %dma_wait3A_144 = arith.constant 0 : i32
      %dma_wait3A_145 = tpu.memref_slice %arg3[%add3A_84, %dma_wait3A_143, %dma_wait3A_144] : memref<3200x2x100xi32, #tpu.memory_space<hbm>> -> memref<1x2x100xi32, #tpu.memory_space<hbm>>
      %dma_wait3A_146 = tpu.memref_squeeze %dma_wait3A_145 : memref<1x2x100xi32, #tpu.memory_space<hbm>> -> memref<2x100xi32, #tpu.memory_space<hbm>>
      tpu.wait_dma2 semaphore(%run_scoped3A : memref<!tpu.dma_semaphore, #tpu.memory_space<semaphore_mem>>) src(%dma_wait3A_146 : memref<2x100xi32, #tpu.memory_space<hbm>>) dst(%arg6 : memref<2x100xi32, #tpu.memory_space<vmem>>)
      tpu.yield
    }) : () -> ()
    %dma_start3A_85 = arith.constant 0 : i32
    %dma_start3A_86 = arith.constant 0 : i32
    %dma_start3A_87 = tpu.memref_slice %arg6[%dma_start3A_85, %dma_start3A_86] : memref<2x100xi32, #tpu.memory_space<vmem>> -> memref<1x100xi32, #tpu.memory_space<vmem>>
    %dma_start3A_88 = tpu.memref_squeeze %dma_start3A_87 : memref<1x100xi32, #tpu.memory_space<vmem>> -> memref<100xi32, #tpu.memory_space<vmem>>
    %dma_start3A_89 = arith.constant 0 : i32
    %dma_start3A_90 = arith.constant 0 : i32
    %dma_start3A_91 = tpu.memref_slice %arg2[%dma_start3A_89, %dma_start3A_90] : memref<10000x128xf32, #tpu.memory_space<hbm>> -> memref<10000x128xf32, #tpu.memory_space<hbm>>
    tpu.enqueue_indirect_dma source(%dma_start3A_91 : memref<10000x128xf32, #tpu.memory_space<hbm>>) target(%arg9 : memref<100x128xf32, #tpu.memory_space<vmem>>) offsets(%dma_start3A_88 : memref<100xi32, #tpu.memory_space<vmem>>) semaphore(%arg13 : memref<!tpu.dma_semaphore, #tpu.memory_space<semaphore_mem>>)
    %dma_wait3A_92 = arith.constant 0 : i32
    %dma_wait3A_93 = arith.constant 0 : i32
    %dma_wait3A_94 = tpu.memref_slice %arg6[%dma_wait3A_92, %dma_wait3A_93] : memref<2x100xi32, #tpu.memory_space<vmem>> -> memref<1x100xi32, #tpu.memory_space<vmem>>
    %dma_wait3A_95 = tpu.memref_squeeze %dma_wait3A_94 : memref<1x100xi32, #tpu.memory_space<vmem>> -> memref<100xi32, #tpu.memory_space<vmem>>
    %dma_wait3A_96 = arith.constant 0 : i32
    %dma_wait3A_97 = arith.constant 0 : i32
    %dma_wait3A_98 = tpu.memref_slice %arg2[%dma_wait3A_96, %dma_wait3A_97] : memref<10000x128xf32, #tpu.memory_space<hbm>> -> memref<10000x128xf32, #tpu.memory_space<hbm>>
    tpu.wait_indirect_dma semaphore(%arg13 : memref<!tpu.dma_semaphore, #tpu.memory_space<semaphore_mem>>) src(%dma_wait3A_98 : memref<10000x128xf32, #tpu.memory_space<hbm>>) dst(%arg9 : memref<100x128xf32, #tpu.memory_space<vmem>>)
    %dma_start3A_99 = arith.constant 1 : i32
    %dma_start3A_100 = arith.constant 0 : i32
    %dma_start3A_101 = tpu.memref_slice %arg6[%dma_start3A_99, %dma_start3A_100] : memref<2x100xi32, #tpu.memory_space<vmem>> -> memref<1x100xi32, #tpu.memory_space<vmem>>
    %dma_start3A_102 = tpu.memref_squeeze %dma_start3A_101 : memref<1x100xi32, #tpu.memory_space<vmem>> -> memref<100xi32, #tpu.memory_space<vmem>>
    %dma_start3A_103 = arith.constant 0 : i32
    %dma_start3A_104 = arith.constant 0 : i32
    %dma_start3A_105 = tpu.memref_slice %arg12[%dma_start3A_103, %dma_start3A_104] : memref<10272x128xf32, #tpu.memory_space<vmem_shared>> -> memref<10272x128xf32, #tpu.memory_space<vmem_shared>>
    tpu.enqueue_indirect_dma source(%arg9 : memref<100x128xf32, #tpu.memory_space<vmem>>) target(%dma_start3A_105 : memref<10272x128xf32, #tpu.memory_space<vmem_shared>>) offsets(%dma_start3A_102 : memref<100xi32, #tpu.memory_space<vmem>>) semaphore(%arg16 : memref<!tpu.dma_semaphore, #tpu.memory_space<semaphore_mem>>) {add = true}
    %dma_wait3A_106 = arith.constant 1 : i32
    %dma_wait3A_107 = arith.constant 0 : i32
    %dma_wait3A_108 = tpu.memref_slice %arg6[%dma_wait3A_106, %dma_wait3A_107] : memref<2x100xi32, #tpu.memory_space<vmem>> -> memref<1x100xi32, #tpu.memory_space<vmem>>
    %dma_wait3A_109 = tpu.memref_squeeze %dma_wait3A_108 : memref<1x100xi32, #tpu.memory_space<vmem>> -> memref<100xi32, #tpu.memory_space<vmem>>
    %dma_wait3A_110 = arith.constant 0 : i32
    %dma_wait3A_111 = arith.constant 0 : i32
    %dma_wait3A_112 = tpu.memref_slice %arg12[%dma_wait3A_110, %dma_wait3A_111] : memref<10272x128xf32, #tpu.memory_space<vmem_shared>> -> memref<10272x128xf32, #tpu.memory_space<vmem_shared>>
    tpu.wait_indirect_dma semaphore(%arg16 : memref<!tpu.dma_semaphore, #tpu.memory_space<semaphore_mem>>) src(%arg9 : memref<100x128xf32, #tpu.memory_space<vmem>>) dst(%dma_wait3A_112 : memref<10272x128xf32, #tpu.memory_space<vmem_shared>>)
    %dma_wait3A_113 = arith.constant 1 : i32
    %dma_wait3A_114 = arith.constant 0 : i32
    %dma_wait3A_115 = tpu.memref_slice %arg7[%dma_wait3A_113, %dma_wait3A_114] : memref<2x100xi32, #tpu.memory_space<vmem>> -> memref<1x100xi32, #tpu.memory_space<vmem>>
    %dma_wait3A_116 = tpu.memref_squeeze %dma_wait3A_115 : memref<1x100xi32, #tpu.memory_space<vmem>> -> memref<100xi32, #tpu.memory_space<vmem>>
    %dma_wait3A_117 = arith.constant 0 : i32
    %dma_wait3A_118 = arith.constant 0 : i32
    %dma_wait3A_119 = tpu.memref_slice %arg12[%dma_wait3A_117, %dma_wait3A_118] : memref<10272x128xf32, #tpu.memory_space<vmem_shared>> -> memref<10272x128xf32, #tpu.memory_space<vmem_shared>>
    tpu.wait_indirect_dma semaphore(%arg17 : memref<!tpu.dma_semaphore, #tpu.memory_space<semaphore_mem>>) src(%arg10 : memref<100x128xf32, #tpu.memory_space<vmem>>) dst(%dma_wait3A_119 : memref<10272x128xf32, #tpu.memory_space<vmem_shared>>)
    %dma_wait3A_120 = arith.constant 1 : i32
    %dma_wait3A_121 = arith.constant 0 : i32
    %dma_wait3A_122 = tpu.memref_slice %arg8[%dma_wait3A_120, %dma_wait3A_121] : memref<2x100xi32, #tpu.memory_space<vmem>> -> memref<1x100xi32, #tpu.memory_space<vmem>>
    %dma_wait3A_123 = tpu.memref_squeeze %dma_wait3A_122 : memref<1x100xi32, #tpu.memory_space<vmem>> -> memref<100xi32, #tpu.memory_space<vmem>>
    %dma_wait3A_124 = arith.constant 0 : i32
    %dma_wait3A_125 = arith.constant 0 : i32
    %dma_wait3A_126 = tpu.memref_slice %arg12[%dma_wait3A_124, %dma_wait3A_125] : memref<10272x128xf32, #tpu.memory_space<vmem_shared>> -> memref<10272x128xf32, #tpu.memory_space<vmem_shared>>
    tpu.wait_indirect_dma semaphore(%arg18 : memref<!tpu.dma_semaphore, #tpu.memory_space<semaphore_mem>>) src(%arg11 : memref<100x128xf32, #tpu.memory_space<vmem>>) dst(%dma_wait3A_126 : memref<10272x128xf32, #tpu.memory_space<vmem_shared>>)
    %barrier3A_127 = arith.constant 0 : index
    tpu.barrier barrier_id(%barrier3A_127)
    %mul3A_128 = arith.constant 10240 : i32
    %mul3A_129 = arith.muli %arg0, %mul3A_128 : i32
    %add3A_130 = arith.addi %mul3A_129, %mul3A_4 : i32
    "tpu.region"() ({
      %run_scoped3A = tpu.sem_alloc : memref<!tpu.dma_semaphore, #tpu.memory_space<semaphore_mem>>
      %dma_start3A_131 = arith.constant 0 : i32
      %dma_start3A_132 = tpu.memref_slice %arg5[%add3A_130, %dma_start3A_131] : memref<20480x128xf32, #tpu.memory_space<hbm>> -> memref<640x128xf32, #tpu.memory_space<hbm>>
      %dma_start3A_133 = arith.constant 0 : i32
      %dma_start3A_134 = tpu.memref_slice %arg12[%mul3A_4, %dma_start3A_133] : memref<10272x128xf32, #tpu.memory_space<vmem_shared>> -> memref<640x128xf32, #tpu.memory_space<vmem_shared>>
      tpu.enqueue_dma source(%dma_start3A_134 : memref<640x128xf32, #tpu.memory_space<vmem_shared>>) target(%dma_start3A_132 : memref<640x128xf32, #tpu.memory_space<hbm>>) target_semaphore(%run_scoped3A : memref<!tpu.dma_semaphore, #tpu.memory_space<semaphore_mem>>)
      %dma_wait3A_135 = arith.constant 0 : i32
      %dma_wait3A_136 = tpu.memref_slice %arg5[%add3A_130, %dma_wait3A_135] : memref<20480x128xf32, #tpu.memory_space<hbm>> -> memref<640x128xf32, #tpu.memory_space<hbm>>
      %dma_wait3A_137 = arith.constant 0 : i32
      %dma_wait3A_138 = tpu.memref_slice %arg12[%mul3A_4, %dma_wait3A_137] : memref<10272x128xf32, #tpu.memory_space<vmem_shared>> -> memref<640x128xf32, #tpu.memory_space<vmem_shared>>
      tpu.wait_dma2 semaphore(%run_scoped3A : memref<!tpu.dma_semaphore, #tpu.memory_space<semaphore_mem>>) src(%dma_wait3A_138 : memref<640x128xf32, #tpu.memory_space<vmem_shared>>) dst(%dma_wait3A_136 : memref<640x128xf32, #tpu.memory_space<hbm>>)
      tpu.yield
    }) : () -> ()
    return
  }
}

module attributes {stable_mosaic.version = 14 : i64} {
  func.func @_tc1_body(%arg0: i32, %arg1: memref<1000x128xf32, #tpu.memory_space<vmem>>, %arg2: memref<2x1000x144xf32, #tpu.memory_space<vmem>>, %arg3: memref<128x128xf32, #tpu.memory_space<vmem>>, %arg4: memref<1x128xf32, #tpu.memory_space<vmem>>, %arg5: memref<1000x128xf32, #tpu.memory_space<vmem>>, %arg6: memref<1000x128xf32, #tpu.memory_space<vmem>>) attributes {dimension_semantics = [#tpu.dimension_semantics<arbitrary>], iteration_bounds = array<i64: 10>, scalar_prefetch = 0 : i64, scratch_operands = 0 : i64, tpu.core_type = #tpu.core_type<tc>, window_params = [{transform_indices = @transform_0, window_bounds = array<i64: 1000, 128>}, {transform_indices = @transform_1, window_bounds = array<i64: 2, 1000, 144>}, {pipeline_mode = #tpu.pipeline_mode<synchronous>, transform_indices = @transform_2, window_bounds = array<i64: 128, 128>}, {pipeline_mode = #tpu.pipeline_mode<synchronous>, transform_indices = @transform_3, window_bounds = array<i64: 1, 128>}, {transform_indices = @transform_4, window_bounds = array<i64: 1000, 128>}, {transform_indices = @transform_5, window_bounds = array<i64: 1000, 128>}]} {
    %get3A = arith.constant 0 : index
    %get3A_0 = arith.constant 0 : index
    %get3A_1 = arith.constant 128 : index
    %get3A_2 = vector.load %arg2[%get3A, %get3A_0, %get3A_1] : memref<2x1000x144xf32, #tpu.memory_space<vmem>>, vector<1x1000x1xf32>
    %get3A_3 = vector.shape_cast %get3A_2 : vector<1x1000x1xf32> to vector<1000x1xf32>
    %get3A_4 = arith.constant 1 : index
    %get3A_5 = arith.constant 0 : index
    %get3A_6 = arith.constant 128 : index
    %get3A_7 = vector.load %arg2[%get3A_4, %get3A_5, %get3A_6] : memref<2x1000x144xf32, #tpu.memory_space<vmem>>, vector<1x1000x1xf32>
    %get3A_8 = vector.shape_cast %get3A_7 : vector<1x1000x1xf32> to vector<1000x1xf32>
    %add3A = arith.addf %get3A_3, %get3A_8 : vector<1000x1xf32>
    %max3A = arith.constant 1.000000e+00 : f32
    %max3A_9 = vector.broadcast %max3A : f32 to vector<1000x1xf32>
    %max3A_10 = arith.maximumf %add3A, %max3A_9 : vector<1000x1xf32>
    %div3A = arith.constant 1.000000e+00 : f32
    %div3A_11 = vector.broadcast %div3A : f32 to vector<1000x1xf32>
    %div3A_12 = arith.divf %div3A_11, %max3A_10 : vector<1000x1xf32>
    %get3A_13 = arith.constant 0 : index
    %get3A_14 = arith.constant 0 : index
    %get3A_15 = arith.constant 0 : index
    %get3A_16 = vector.load %arg2[%get3A_13, %get3A_14, %get3A_15] : memref<2x1000x144xf32, #tpu.memory_space<vmem>>, vector<1x1000x128xf32>
    %get3A_17 = vector.shape_cast %get3A_16 : vector<1x1000x128xf32> to vector<1000x128xf32>
    %get3A_18 = arith.constant 1 : index
    %get3A_19 = arith.constant 0 : index
    %get3A_20 = arith.constant 0 : index
    %get3A_21 = vector.load %arg2[%get3A_18, %get3A_19, %get3A_20] : memref<2x1000x144xf32, #tpu.memory_space<vmem>>, vector<1x1000x128xf32>
    %get3A_22 = vector.shape_cast %get3A_21 : vector<1x1000x128xf32> to vector<1000x128xf32>
    %add3A_23 = arith.addf %get3A_17, %get3A_22 : vector<1000x128xf32>
    %get3A_24 = arith.constant 0 : index
    %get3A_25 = arith.constant 0 : index
    %get3A_26 = vector.load %arg1[%get3A_24, %get3A_25] : memref<1000x128xf32, #tpu.memory_space<vmem>>, vector<1000x128xf32>
    %mul3A = vector.broadcast %div3A_12 : vector<1000x1xf32> to vector<1000x128xf32>
    %mul3A_27 = arith.mulf %add3A_23, %mul3A : vector<1000x128xf32>
    %add3A_28 = arith.addf %get3A_26, %mul3A_27 : vector<1000x128xf32>
    %get3A_29 = arith.constant 0 : index
    %get3A_30 = arith.constant 0 : index
    %get3A_31 = vector.load %arg3[%get3A_29, %get3A_30] : memref<128x128xf32, #tpu.memory_space<vmem>>, vector<128x128xf32>
    %dot_general3A = arith.constant dense<0.000000e+00> : vector<1000x128xf32>
    %dot_general3A_32 = tpu.matmul %add3A_28, %get3A_31, %dot_general3A {dimension_numbers = #tpu.dot_dimension_numbers<[1], [0], [0], [1], [0, 0, 1, 1], [], []>, transpose_lhs_hint = false} : vector<1000x128xf32>, vector<128x128xf32>, vector<1000x128xf32> -> vector<1000x128xf32>
    %get3A_33 = arith.constant 0 : index
    %get3A_34 = arith.constant 0 : index
    %get3A_35 = vector.load %arg4[%get3A_33, %get3A_34] : memref<1x128xf32, #tpu.memory_space<vmem>>, vector<1x128xf32>
    %add3A_36 = vector.broadcast %get3A_35 : vector<1x128xf32> to vector<1000x128xf32>
    %add3A_37 = arith.addf %dot_general3A_32, %add3A_36 : vector<1000x128xf32>
    %max3A_38 = arith.constant 0.000000e+00 : f32
    %max3A_39 = vector.broadcast %max3A_38 : f32 to vector<1000x128xf32>
    %max3A_40 = arith.maximumf %add3A_37, %max3A_39 : vector<1000x128xf32>
    %swap3A = arith.constant 0 : index
    %swap3A_41 = arith.constant 0 : index
    %swap3A_42 = vector.load %arg5[%swap3A, %swap3A_41] : memref<1000x128xf32, #tpu.memory_space<vmem>>, vector<1000x128xf32>
    tpu.vector_store %arg5[%swap3A, %swap3A_41], %max3A_40 {strides = array<i32>} : memref<1000x128xf32, #tpu.memory_space<vmem>>, vector<1000x128xf32>,
    %broadcast_in_dim3A = arith.constant 0.000000e+00 : f32
    %broadcast_in_dim3A_43 = vector.broadcast %broadcast_in_dim3A : f32 to vector<1000x128xf32>
    %add3A_44 = vector.broadcast %div3A_12 : vector<1000x1xf32> to vector<1000x128xf32>
    %add3A_45 = arith.addf %add3A_44, %broadcast_in_dim3A_43 : vector<1000x128xf32>
    %swap3A_46 = arith.constant 0 : index
    %swap3A_47 = arith.constant 0 : index
    %swap3A_48 = vector.load %arg6[%swap3A_46, %swap3A_47] : memref<1000x128xf32, #tpu.memory_space<vmem>>, vector<1000x128xf32>
    tpu.vector_store %arg6[%swap3A_46, %swap3A_47], %add3A_45 {strides = array<i32>} : memref<1000x128xf32, #tpu.memory_space<vmem>>, vector<1000x128xf32>,
    return
  }
  func.func @transform_0(%arg0: i32) -> (i32, i32) {
    %c0_i32 = arith.constant 0 : i32
    %c0_i32_0 = arith.constant 0 : i32
    return %arg0, %c0_i32 : i32, i32
  }
  func.func @transform_1(%arg0: i32) -> (i32, i32, i32) {
    %c0_i32 = arith.constant 0 : i32
    %c0_i32_0 = arith.constant 0 : i32
    %c0_i32_1 = arith.constant 0 : i32
    return %c0_i32, %arg0, %c0_i32_0 : i32, i32, i32
  }
  func.func @transform_2(%arg0: i32) -> (i32, i32) {
    %c0_i32 = arith.constant 0 : i32
    %c0_i32_0 = arith.constant 0 : i32
    %c0_i32_1 = arith.constant 0 : i32
    return %c0_i32, %c0_i32_0 : i32, i32
  }
  func.func @transform_3(%arg0: i32) -> (i32, i32) {
    %c0_i32 = arith.constant 0 : i32
    %c0_i32_0 = arith.constant 0 : i32
    %c0_i32_1 = arith.constant 0 : i32
    return %c0_i32, %c0_i32_0 : i32, i32
  }
  func.func @transform_4(%arg0: i32) -> (i32, i32) {
    %c0_i32 = arith.constant 0 : i32
    %c0_i32_0 = arith.constant 0 : i32
    return %arg0, %c0_i32 : i32, i32
  }
  func.func @transform_5(%arg0: i32) -> (i32, i32) {
    %c0_i32 = arith.constant 0 : i32
    %c0_i32_0 = arith.constant 0 : i32
    return %arg0, %c0_i32 : i32, i32
  }
}

module attributes {stable_mosaic.version = 14 : i64} {
  func.func @_tc2_body(%arg0: i32, %arg1: memref<1000x128xf32, #tpu.memory_space<vmem>>, %arg2: memref<2x1000x128xf32, #tpu.memory_space<vmem>>, %arg3: memref<1000x128xf32, #tpu.memory_space<vmem>>, %arg4: memref<128x128xf32, #tpu.memory_space<vmem>>, %arg5: memref<1x128xf32, #tpu.memory_space<vmem>>, %arg6: memref<128x128xf32, #tpu.memory_space<vmem>>, %arg7: memref<1x128xf32, #tpu.memory_space<vmem>>, %arg8: memref<128x128xf32, #tpu.memory_space<vmem>>, %arg9: memref<1x128xf32, #tpu.memory_space<vmem>>, %arg10: memref<1x128xf32, #tpu.memory_space<vmem>>, %arg11: memref<1x128xf32, #tpu.memory_space<vmem>>, %arg12: memref<1x128xf32, #tpu.memory_space<vmem>>) attributes {dimension_semantics = [#tpu.dimension_semantics<arbitrary>], iteration_bounds = array<i64: 10>, scalar_prefetch = 0 : i64, scratch_operands = 1 : i64, tpu.core_type = #tpu.core_type<tc>, window_params = [{transform_indices = @transform_0, window_bounds = array<i64: 1000, 128>}, {transform_indices = @transform_1, window_bounds = array<i64: 2, 1000, 128>}, {transform_indices = @transform_2, window_bounds = array<i64: 1000, 128>}, {pipeline_mode = #tpu.pipeline_mode<synchronous>, transform_indices = @transform_3, window_bounds = array<i64: 128, 128>}, {pipeline_mode = #tpu.pipeline_mode<synchronous>, transform_indices = @transform_4, window_bounds = array<i64: 1, 128>}, {pipeline_mode = #tpu.pipeline_mode<synchronous>, transform_indices = @transform_5, window_bounds = array<i64: 128, 128>}, {pipeline_mode = #tpu.pipeline_mode<synchronous>, transform_indices = @transform_6, window_bounds = array<i64: 1, 128>}, {pipeline_mode = #tpu.pipeline_mode<synchronous>, transform_indices = @transform_7, window_bounds = array<i64: 128, 128>}, {pipeline_mode = #tpu.pipeline_mode<synchronous>, transform_indices = @transform_8, window_bounds = array<i64: 1, 128>}, {pipeline_mode = #tpu.pipeline_mode<synchronous>, transform_indices = @transform_9, window_bounds = array<i64: 1, 128>}, {pipeline_mode = #tpu.pipeline_mode<synchronous>, transform_indices = @transform_10, window_bounds = array<i64: 1, 128>}]} {
    %get3A = arith.constant 0 : index
    %get3A_0 = arith.constant 0 : index
    %get3A_1 = arith.constant 0 : index
    %get3A_2 = vector.load %arg2[%get3A, %get3A_0, %get3A_1] : memref<2x1000x128xf32, #tpu.memory_space<vmem>>, vector<1x1000x128xf32>
    %get3A_3 = vector.shape_cast %get3A_2 : vector<1x1000x128xf32> to vector<1000x128xf32>
    %get3A_4 = arith.constant 1 : index
    %get3A_5 = arith.constant 0 : index
    %get3A_6 = arith.constant 0 : index
    %get3A_7 = vector.load %arg2[%get3A_4, %get3A_5, %get3A_6] : memref<2x1000x128xf32, #tpu.memory_space<vmem>>, vector<1x1000x128xf32>
    %get3A_8 = vector.shape_cast %get3A_7 : vector<1x1000x128xf32> to vector<1000x128xf32>
    %add3A = arith.addf %get3A_3, %get3A_8 : vector<1000x128xf32>
    %get3A_9 = arith.constant 0 : index
    %get3A_10 = arith.constant 0 : index
    %get3A_11 = vector.load %arg1[%get3A_9, %get3A_10] : memref<1000x128xf32, #tpu.memory_space<vmem>>, vector<1000x128xf32>
    %get3A_12 = arith.constant 0 : index
    %get3A_13 = arith.constant 0 : index
    %get3A_14 = vector.load %arg3[%get3A_12, %get3A_13] : memref<1000x128xf32, #tpu.memory_space<vmem>>, vector<1000x128xf32>
    %mul3A = arith.mulf %add3A, %get3A_14 : vector<1000x128xf32>
    %add3A_15 = arith.addf %get3A_11, %mul3A : vector<1000x128xf32>
    %get3A_16 = arith.constant 0 : index
    %get3A_17 = arith.constant 0 : index
    %get3A_18 = vector.load %arg4[%get3A_16, %get3A_17] : memref<128x128xf32, #tpu.memory_space<vmem>>, vector<128x128xf32>
    %dot_general3A = arith.constant dense<0.000000e+00> : vector<1000x128xf32>
    %dot_general3A_19 = tpu.matmul %add3A_15, %get3A_18, %dot_general3A {dimension_numbers = #tpu.dot_dimension_numbers<[1], [0], [0], [1], [0, 0, 1, 1], [], []>, transpose_lhs_hint = false} : vector<1000x128xf32>, vector<128x128xf32>, vector<1000x128xf32> -> vector<1000x128xf32>
    %get3A_20 = arith.constant 0 : index
    %get3A_21 = arith.constant 0 : index
    %get3A_22 = vector.load %arg5[%get3A_20, %get3A_21] : memref<1x128xf32, #tpu.memory_space<vmem>>, vector<1x128xf32>
    %add3A_23 = vector.broadcast %get3A_22 : vector<1x128xf32> to vector<1000x128xf32>
    %add3A_24 = arith.addf %dot_general3A_19, %add3A_23 : vector<1000x128xf32>
    %max3A = arith.constant 0.000000e+00 : f32
    %max3A_25 = vector.broadcast %max3A : f32 to vector<1000x128xf32>
    %max3A_26 = arith.maximumf %add3A_24, %max3A_25 : vector<1000x128xf32>
    %reduce_sum3A = arith.constant dense<0.000000e+00> : vector<128xf32>
    %reduce_sum3A_27 = vector.multi_reduction <add>, %max3A_26, %reduce_sum3A [0] : vector<1000x128xf32> to vector<128xf32>
    %broadcast_in_dim3A = vector.shape_cast %reduce_sum3A_27 : vector<128xf32> to vector<1x128xf32>
    %eq3A = arith.constant 0 : i32
    %eq3A_28 = arith.cmpi eq, %arg0, %eq3A : i32
    %convert_element_type3A = arith.extui %eq3A_28 : i1 to i32
    %cond3A = arith.constant 0 : i32
    %cond3A_29 = arith.cmpi ne, %convert_element_type3A, %cond3A : i32
    scf.if %cond3A_29 {
      %swap3A = arith.constant 0 : index
      %swap3A_39 = arith.constant 0 : index
      %swap3A_40 = vector.load %arg12[%swap3A, %swap3A_39] : memref<1x128xf32, #tpu.memory_space<vmem>>, vector<1x128xf32>
      tpu.vector_store %arg12[%swap3A, %swap3A_39], %broadcast_in_dim3A {strides = array<i32>} : memref<1x128xf32, #tpu.memory_space<vmem>>, vector<1x128xf32>,
    } else {
    }
    %gt3A = arith.constant 0 : i32
    %gt3A_30 = arith.cmpi sgt, %arg0, %gt3A : i32
    %convert_element_type3A_31 = arith.extui %gt3A_30 : i1 to i32
    %cond3A_32 = arith.constant 0 : i32
    %cond3A_33 = arith.cmpi ne, %convert_element_type3A_31, %cond3A_32 : i32
    scf.if %cond3A_33 {
      %get3A_39 = arith.constant 0 : index
      %get3A_40 = arith.constant 0 : index
      %get3A_41 = vector.load %arg12[%get3A_39, %get3A_40] : memref<1x128xf32, #tpu.memory_space<vmem>>, vector<1x128xf32>
      %add3A_42 = arith.addf %get3A_41, %broadcast_in_dim3A : vector<1x128xf32>
      %swap3A = arith.constant 0 : index
      %swap3A_43 = arith.constant 0 : index
      %swap3A_44 = vector.load %arg12[%swap3A, %swap3A_43] : memref<1x128xf32, #tpu.memory_space<vmem>>, vector<1x128xf32>
      tpu.vector_store %arg12[%swap3A, %swap3A_43], %add3A_42 {strides = array<i32>} : memref<1x128xf32, #tpu.memory_space<vmem>>, vector<1x128xf32>,
    } else {
    }
    %eq3A_34 = arith.constant 9 : i32
    %eq3A_35 = arith.cmpi eq, %arg0, %eq3A_34 : i32
    %convert_element_type3A_36 = arith.extui %eq3A_35 : i1 to i32
    %cond3A_37 = arith.constant 0 : i32
    %cond3A_38 = arith.cmpi ne, %convert_element_type3A_36, %cond3A_37 : i32
    scf.if %cond3A_38 {
      %get3A_39 = arith.constant 0 : index
      %get3A_40 = arith.constant 0 : index
      %get3A_41 = vector.load %arg12[%get3A_39, %get3A_40] : memref<1x128xf32, #tpu.memory_space<vmem>>, vector<1x128xf32>
      %mul3A_42 = arith.constant 9.99999974E-5 : f32
      %mul3A_43 = vector.broadcast %mul3A_42 : f32 to vector<1x128xf32>
      %mul3A_44 = arith.mulf %get3A_41, %mul3A_43 : vector<1x128xf32>
      %swap3A = arith.constant 0 : index
      %swap3A_45 = arith.constant 0 : index
      %swap3A_46 = vector.load %arg10[%swap3A, %swap3A_45] : memref<1x128xf32, #tpu.memory_space<vmem>>, vector<1x128xf32>
      tpu.vector_store %arg10[%swap3A, %swap3A_45], %mul3A_44 {strides = array<i32>} : memref<1x128xf32, #tpu.memory_space<vmem>>, vector<1x128xf32>,
      %get3A_47 = arith.constant 0 : index
      %get3A_48 = arith.constant 0 : index
      %get3A_49 = vector.load %arg6[%get3A_47, %get3A_48] : memref<128x128xf32, #tpu.memory_space<vmem>>, vector<128x128xf32>
      %dot_general3A_50 = arith.constant dense<0.000000e+00> : vector<1x128xf32>
      %dot_general3A_51 = tpu.matmul %mul3A_44, %get3A_49, %dot_general3A_50 {dimension_numbers = #tpu.dot_dimension_numbers<[1], [0], [0], [1], [0, 0, 1, 1], [], []>, transpose_lhs_hint = false} : vector<1x128xf32>, vector<128x128xf32>, vector<1x128xf32> -> vector<1x128xf32>
      %get3A_52 = arith.constant 0 : index
      %get3A_53 = arith.constant 0 : index
      %get3A_54 = vector.load %arg7[%get3A_52, %get3A_53] : memref<1x128xf32, #tpu.memory_space<vmem>>, vector<1x128xf32>
      %add3A_55 = arith.addf %dot_general3A_51, %get3A_54 : vector<1x128xf32>
      %max3A_56 = arith.constant 0.000000e+00 : f32
      %max3A_57 = vector.broadcast %max3A_56 : f32 to vector<1x128xf32>
      %max3A_58 = arith.maximumf %add3A_55, %max3A_57 : vector<1x128xf32>
      %get3A_59 = arith.constant 0 : index
      %get3A_60 = arith.constant 0 : index
      %get3A_61 = vector.load %arg8[%get3A_59, %get3A_60] : memref<128x128xf32, #tpu.memory_space<vmem>>, vector<128x128xf32>
      %dot_general3A_62 = arith.constant dense<0.000000e+00> : vector<1x128xf32>
      %dot_general3A_63 = tpu.matmul %max3A_58, %get3A_61, %dot_general3A_62 {dimension_numbers = #tpu.dot_dimension_numbers<[1], [0], [0], [1], [0, 0, 1, 1], [], []>, transpose_lhs_hint = false} : vector<1x128xf32>, vector<128x128xf32>, vector<1x128xf32> -> vector<1x128xf32>
      %get3A_64 = arith.constant 0 : index
      %get3A_65 = arith.constant 0 : index
      %get3A_66 = vector.load %arg9[%get3A_64, %get3A_65] : memref<1x128xf32, #tpu.memory_space<vmem>>, vector<1x128xf32>
      %add3A_67 = arith.addf %dot_general3A_63, %get3A_66 : vector<1x128xf32>
      %swap3A_68 = arith.constant 0 : index
      %swap3A_69 = arith.constant 0 : index
      %swap3A_70 = vector.load %arg11[%swap3A_68, %swap3A_69] : memref<1x128xf32, #tpu.memory_space<vmem>>, vector<1x128xf32>
      tpu.vector_store %arg11[%swap3A_68, %swap3A_69], %add3A_67 {strides = array<i32>} : memref<1x128xf32, #tpu.memory_space<vmem>>, vector<1x128xf32>,
    } else {
    }
    return
  }
  func.func @transform_0(%arg0: i32) -> (i32, i32) {
    %c0_i32 = arith.constant 0 : i32
    %c0_i32_0 = arith.constant 0 : i32
    return %arg0, %c0_i32 : i32, i32
  }
  func.func @transform_1(%arg0: i32) -> (i32, i32, i32) {
    %c0_i32 = arith.constant 0 : i32
    %c0_i32_0 = arith.constant 0 : i32
    %c0_i32_1 = arith.constant 0 : i32
    return %c0_i32, %arg0, %c0_i32_0 : i32, i32, i32
  }
  func.func @transform_2(%arg0: i32) -> (i32, i32) {
    %c0_i32 = arith.constant 0 : i32
    %c0_i32_0 = arith.constant 0 : i32
    return %arg0, %c0_i32 : i32, i32
  }
  func.func @transform_3(%arg0: i32) -> (i32, i32) {
    %c0_i32 = arith.constant 0 : i32
    %c0_i32_0 = arith.constant 0 : i32
    %c0_i32_1 = arith.constant 0 : i32
    return %c0_i32, %c0_i32_0 : i32, i32
  }
  func.func @transform_4(%arg0: i32) -> (i32, i32) {
    %c0_i32 = arith.constant 0 : i32
    %c0_i32_0 = arith.constant 0 : i32
    %c0_i32_1 = arith.constant 0 : i32
    return %c0_i32, %c0_i32_0 : i32, i32
  }
  func.func @transform_5(%arg0: i32) -> (i32, i32) {
    %c0_i32 = arith.constant 0 : i32
    %c0_i32_0 = arith.constant 0 : i32
    %c0_i32_1 = arith.constant 0 : i32
    return %c0_i32, %c0_i32_0 : i32, i32
  }
  func.func @transform_6(%arg0: i32) -> (i32, i32) {
    %c0_i32 = arith.constant 0 : i32
    %c0_i32_0 = arith.constant 0 : i32
    %c0_i32_1 = arith.constant 0 : i32
    return %c0_i32, %c0_i32_0 : i32, i32
  }
  func.func @transform_7(%arg0: i32) -> (i32, i32) {
    %c0_i32 = arith.constant 0 : i32
    %c0_i32_0 = arith.constant 0 : i32
    %c0_i32_1 = arith.constant 0 : i32
    return %c0_i32, %c0_i32_0 : i32, i32
  }
  func.func @transform_8(%arg0: i32) -> (i32, i32) {
    %c0_i32 = arith.constant 0 : i32
    %c0_i32_0 = arith.constant 0 : i32
    %c0_i32_1 = arith.constant 0 : i32
    return %c0_i32, %c0_i32_0 : i32, i32
  }
  func.func @transform_9(%arg0: i32) -> (i32, i32) {
    %c0_i32 = arith.constant 0 : i32
    %c0_i32_0 = arith.constant 0 : i32
    %c0_i32_1 = arith.constant 0 : i32
    return %c0_i32, %c0_i32_0 : i32, i32
  }
  func.func @transform_10(%arg0: i32) -> (i32, i32) {
    %c0_i32 = arith.constant 0 : i32
    %c0_i32_0 = arith.constant 0 : i32
    %c0_i32_1 = arith.constant 0 : i32
    return %c0_i32, %c0_i32_0 : i32, i32
  }
}

</mosaic_0001>

<sc_bundles>
// kernel: kernel.6.cloned.1.call-start
scs
__scs_entry_jumppad:
0x0: {  	(pc) =	sbr.rel $0x88, $3  }
0x1: {  	(tag) =	ssettag $0x0;
	lr =	simm.s32 $0x1  }
0x2: {  	[smem:$0x3F97] =	sst lr;
	_ =	strace $0xD0000000  }
0x3: {  	_ = 	snop  }
0x4: {  	_ = 	snop  }
0x5: {  	_ = 	snop  }
0x6: {  	_ = 	snop  }
0x7: {  	_ = 	snop  }
__scs_overlays_trampoline_lowered:
0x8: {  	[smem:$0x3FA6] =	sst s0  }
0x9: {  	[smem:$0x3FA7] =	sst s1  }
0xa: {  	[smem:$0x3FA8] =	sst s2  }
0xb: {  	[smem:$0x3FA9] =	sst s3  }
0xc: {  	[smem:$0x3FAA] =	sst s4  }
0xd: {  	[smem:$0x3FAB] =	sst s5  }
0xe: {  	[smem:$0x3FAC] =	sst s6  }
0xf: {  	[smem:$0x3FAD] =	sst s7  }
0x10: {  	[smem:$0x3FAE] =	sst s8  }
0x11: {  	[smem:$0x3FAF] =	sst s9;
	s0 =	simm.s32 @!p0 $0x0  }
0x12: {  	s1 =	sld [smem:$0x3F95];
	s0 =	simm.s32 @p0 $0x1  }
0x13: {  	[smem:$0x3FB0] =	sst s0;
	s0 =	simm.s32 @!p1 $0x0  }
0x14: {  	s2 =	sld [smem:$0x3F94];
	s0 =	simm.s32 @p1 $0x1  }
0x15: {  	[smem:$0x3FB1] =	sst s0;
	s0 =	simm.s32 @!p2 $0x0  }
0x16: {  	s3 =	sld [smem:$0x3FDB];
	s0 =	simm.s32 @p2 $0x1  }
0x17: {  	s4 =	simm.s32 $0x1BF5;
	[smem:$0x3FB3] =	sst s0  }
0x18: {  	s0 =	sld [smem:$0x3F96];
	_ =	swait.ge [sflag:s4], $0x0  }
0x19: {  	s7 =	sld [smem:$0x3F97]  }
0x1a: {  	s8 =	sadd.s32 $0xFFFFE003, lr  }
0x1b: {  	s9 =	sadd.s32 $0xFFFFFEF7, lr;
	s5 =	simm.s32 $0xFFFFFFFF;
	p2 =	slt.u32 s8, $0xFFFFF086  }
0x1c: {  	p1 =	slt.u32 s9, $0xF7A;
	s5 =	simm.s32 @!p2 $0x0  }
0x1d: {  	s5 =	simm.s32 @p1 $0x1;
	p0 =	seq.s32 s7, s2  }
0x1e: {  	s7 =	smul.u32 @!p0 $0xF7A, s2;
	p2 =	seq.s32 @!p0 s5, $0x0  }
0x1f: {  	s9 =	smul.u32 $0xF7A, s1;
	s8 =	simm.s32 @!p0 $0x1BF5;
	p2 =	por !p2, p0  }
0x20: {  	[sflag:s8] =	ssyncset.s32 @!p0 $0xFFFFF086;
	s6 =	sadd.s32 @!p0 s3, s7;
	s7 =	simm.s32 @!p0 $0x108  }
0x21: {  	s3 =	sadd.s32 s3, s9;
	s6 =	sadd.s32 @!p0 $0x88, s6;
	s7 =	simm.s32 @p2 $0x1082  }
0x22: {  	[simem:s7], [sflag:s8] =	dma.local @!p0 [hbm:s6], $0xF7A  }
0x23: {  	s9 =	sor.u32 $0xD0000000, s2;
	s6 =	simm.s32 $0x108;
	_ =	swait.ge @!p0 [sflag:s8], $0x0  }
0x24: {  	s3 =	sadd.s32 $0x88, s3;
	s6 =	simm.s32 @!p1 $0x1082;
	[sflag:s4] =	ssyncset.s32 $0xFFFFF086  }
0x25: {  	[simem:s6], [sflag:s4] =	dma.local [hbm:s3], $0xF7A  }
0x26: {  	[smem:$0x3F97] =	sst s1;
	(tag) =	ssettag s2;
	_ =	strace s9  }
0x27: {  	s1 =	sld [smem:$0x3FA7]  }
0x28: {  	s2 =	sld [smem:$0x3FA8]  }
0x29: {  	s4 =	sld [smem:$0x3FAA]  }
0x2a: {  	p0 =	seq.s32 s5, $0x0;
	s5 =	sld [smem:$0x3FAB]  }
0x2b: {  	s6 =	sld [smem:$0x3FAC]  }
0x2c: {  	s7 =	sld [smem:$0x3FAD]  }
0x2d: {  	s3 =	simm.s32 $0x108;
	s8 =	sld [smem:$0x3FAE]  }
0x2e: {  	s3 =	simm.s32 @!p0 $0x1082;
	s9 =	sld [smem:$0x3FAF]  }
0x2f: {  	lr =	sadd.s32 s0, s3;
	s0 =	sld [smem:$0x3FA6]  }
0x30: {  	s3 =	sld [smem:$0x3FA9]  }
0x31: {  	[smem:$0x3FB2] =	sst s10  }
0x32: {  	s10 =	sld [smem:$0x3FB0];
	_ =	sdelay $0x3  }
0x33: {  	p0 =	seq.s32 s10, $0x1;
	s10 =	sld [smem:$0x3FB2];
	_ =	sdelay $0x3  }
0x34: {  	[smem:$0x3FB2] =	sst s10  }
0x35: {  	s10 =	sld [smem:$0x3FB1];
	_ =	sdelay $0x3  }
0x36: {  	p1 =	seq.s32 s10, $0x1;
	s10 =	sld [smem:$0x3FB2];
	_ =	sdelay $0x3  }
0x37: {  	[smem:$0x3FB2] =	sst s10  }
0x38: {  	s10 =	sld [smem:$0x3FB3]  }
0x39: {  	_ = 	snop;
	(pc) =	sbr.ind lr, $3  }
0x3a: {  	_ = 	snop  }
0x3b: {  	_ = 	snop  }
0x3c: {  	p2 =	seq.s32 s10, $0x1;
	s10 =	sld [smem:$0x3FB2]  }
0x3d: {  	_ =	shalt  }
0x3e: {  	_ =	shalt  }
0x3f: {  	_ =	shalt  }
0x40: {  	_ =	shalt  }
0x41: {  	_ =	shalt  }
0x42: {  	_ =	shalt  }
0x43: {  	_ =	shalt  }
0x44: {  	_ =	shalt  }
0x45: {  	_ =	shalt  }
0x46: {  	_ =	shalt  }
0x47: {  	_ =	shalt  }
0x48: {  	_ =	shalt  }
0x49: {  	_ =	shalt  }
0x4a: {  	_ =	shalt  }
0x4b: {  	_ =	shalt  }
0x4c: {  	_ =	shalt  }
0x4d: {  	_ =	shalt  }
0x4e: {  	_ =	shalt  }
0x4f: {  	_ =	shalt  }
0x50: {  	_ =	shalt  }
0x51: {  	_ =	shalt  }
0x52: {  	_ =	shalt  }
0x53: {  	_ =	shalt  }
0x54: {  	_ =	shalt  }
0x55: {  	_ =	shalt  }
0x56: {  	_ =	shalt  }
0x57: {  	_ =	shalt  }
0x58: {  	_ =	shalt  }
0x59: {  	_ =	shalt  }
0x5a: {  	_ =	shalt  }
0x5b: {  	_ =	shalt  }
0x5c: {  	_ =	shalt  }
0x5d: {  	_ =	shalt  }
0x5e: {  	_ =	shalt  }
0x5f: {  	_ =	shalt  }
0x60: {  	_ =	shalt  }
0x61: {  	_ =	shalt  }
0x62: {  	_ =	shalt  }
0x63: {  	_ =	shalt  }
0x64: {  	_ =	shalt  }
0x65: {  	_ =	shalt  }
0x66: {  	_ =	shalt  }
0x67: {  	_ =	shalt  }
0x68: {  	_ =	shalt  }
0x69: {  	_ =	shalt  }
0x6a: {  	_ =	shalt  }
0x6b: {  	_ =	shalt  }
0x6c: {  	_ =	shalt  }
0x6d: {  	_ =	shalt  }
0x6e: {  	_ =	shalt  }
0x6f: {  	_ =	shalt  }
0x70: {  	_ =	shalt  }
0x71: {  	_ =	shalt  }
0x72: {  	_ =	shalt  }
0x73: {  	_ =	shalt  }
0x74: {  	_ =	shalt  }
0x75: {  	_ =	shalt  }
0x76: {  	_ =	shalt  }
0x77: {  	_ =	shalt  }
0x78: {  	_ =	shalt  }
0x79: {  	_ =	shalt  }
0x7a: {  	_ =	shalt  }
0x7b: {  	_ =	shalt  }
0x7c: {  	_ =	shalt  }
0x7d: {  	_ =	shalt  }
0x7e: {  	_ =	shalt  }
0x7f: {  	_ =	shalt  }
0x80: {  	_ =	shalt  }
0x81: {  	_ =	shalt  }
0x82: {  	_ =	shalt  }
0x83: {  	_ =	shalt  }
0x84: {  	_ =	shalt  }
0x85: {  	_ =	shalt  }
0x86: {  	_ =	shalt  }
0x87: {  	_ =	shalt  }
.Lfunc_end0:
.L_simem_size_0:
called_computation_lowered:
.L_overlay_start_0:
0x88: {  	s2 =	sld [smem:$0x3FD9]  }
0x89: {  	s3 =	sld [smem:$0x3FFE];
	_ =	sdelay $0x1  }
0x8a: {  	s1 =	srdreg.scid  }
0x8b: {  	s0 =	sand.u32 $0x1, s1  }
0x8c: {  	s16 =	sshll.u32 s0, $0xA;
	s2 =	sadd.s32 s3, s2  }
0x8d: {  	s2 =	sadd.s32 s2, s16  }
0x8e: {  	[smem:$0x3FBE] =	sst s2  }
0x8f: {  	_ = 	snop  }
0x90: {  	(tm) =	ssettm $0x1  }
0x91: {  	s17 =	sld [smem:$0x3FFB];
	_ =	sdelay $0x3  }
0x92: {  	_ =	strace s17  }
0x93: {  	s2 =	sld [smem:$0x3FFC];
	_ =	sdelay $0x3  }
0x94: {  	_ =	strace s2  }
0x95: {  	s2 =	sld [smem:$0x3FFD];
	_ =	sdelay $0x3  }
0x96: {  	_ =	strace s2  }
0x97: {  	_ =	strace $0x8FFFFFFF  }
0x98: {  	s18 =	sld [smem:$0x3FDB];
	_ =	sdelay $0x1  }
0x99: {  	s19 =	simm.s32 $_scs_section_size  }
0x9a: {  	s4 =	simm.s32 $_size__tile_overlayer_lowered;
	s5 =	simm.s32 $_tile_overlayer_lowered  }
0x9b: {  	s22 =	simm.s32 $0x1BFF;
	s21 =	sshll.u32 s5, $0x1;
	s2 =	sadd.s32 s19, s18  }
0x9c: {  	s6 =	simm.s32 $0x0;
	s20 =	sshll.u32 s4, $0x1;
	s4 =	sadd.s32 s21, s2  }
0x9d: {  	[timem:s6], [sflag:s22] =	dma.local [hbm:s4], s20  }
0x9e: {  	_ =	swait.ge [sflag:s22], s20  }
0x9f: {  	s3 =	ssub.s32 $0x0, s20;
	[sflag:s22] =	ssyncset.done $0x0  }
0xa0: {  	[sflag:s22] =	ssyncadd.s32 s3;
	_ =	sdelay $0x1  }
0xa1: {  	s23 =	simm.s32 $0x1B8B  }
0xa2: {  	_ =	swait.ge [sflag:s23], $0x1  }
0xa3: {  	[sflag:s23] =	ssyncset.done $0x0  }
0xa4: {  	s25 =	simm.s32 $0x1B8E;
	s24 =	sld [smem:$0x3FFE];
	[sflag:s23] =	ssyncadd.s32 $0xFFFFFFFF  }
0xa5: {  	s26 =	simm.s32 $execute0_lowered;
	[smem:$0x3FD2] =	sst s25  }
0xa6: {  	s4 =	sshll.u32 s26, $0x1;
	_ =	strace $0x80000046;
	[dreg:$0x1] =	wrdreg $0xFFFFFFFF  }
0xa7: {  	s28 =	simm.s32 $_size_execute0_lowered;
	s2 =	sadd.s32 s2, s4;
	[dreg:$0x0] =	wrdreg $0x0  }
0xa8: {  	s4 =	sshll.u32 s28, $0x1;
	[dreg:$0x2] =	wrdreg s2  }
0xa9: {  	[dreg:$0x3] =	wrdreg s4  }
0xaa: {  	[dreg:$0x4] =	wrdreg $0xC0  }
0xab: {  	_ =	task [dreg:s6], $0x5FFFF  }
0xac: {  	[dreg:$0x1] =	wrdreg $0xFFFFFFFF  }
0xad: {  	[dreg:$0x0] =	wrdreg $0x60  }
0xae: {  	[dreg:$0x2] =	wrdreg s24  }
0xaf: {  	[dreg:$0x3] =	wrdreg $0x72200  }
0xb0: {  	[dreg:$0x4] =	wrdreg $0x9  }
0xb1: {  	_ =	task.clear_ibuf [dreg:s6], $0x5FFFF;
	_ =	strace $0x90000046  }
0xb2: {  	s29 =	simm.s32 $0x9;
	_ =	strace $0x80000048  }
0xb3: {  	_ =	swait.ge [sflag:s29], $0x1  }
0xb4: {  	[sflag:s29] =	ssyncadd.s32 $0xFFFFFFFF  }
0xb5: {  	_ =	strace $0x90000048  }
0xb6: {  	_ =	sfence  }
0xb7: {  	s30 =	sld [smem:$0x0];
	_ =	sdelay $0x2  }
0xb8: {  	s31 =	sshll.u32 s1, $0xD;
	s1 =	sshrl.u32 s1, $0x2  }
0xb9: {  	s3 =	sand.u32 $0x4000, s31;
	s1 =	sadd.s32 s1, s30  }
0xba: {  	s0 =	sor.u32 s3, s0;
	s1 =	sshll.u32 s1, $0x11  }
0xbb: {  	s0 =	sor.u32 s1, s0  }
0xbc: {  	s0 =	sadd.s32 $0x8F2B, s0  }
0xbd: {  	[sflag:s0] =	ssyncadd.remote.s32 $0x1  }
0xbe: {  	_ =	sfence.sel $0xFFFF  }
0xbf: {  	[dreg:$0x0] =	wrdreg $0xFFFFFFFF;
	(pc) =	sbr.abs _section_cstart, $3  }
0xc0: {  	[dreg:$0x1] =	wrdreg $0xFFFFFFFF  }
0xc1: {  	_ =	task.clear_ibuf [dreg:s6], $0x2FFFF;
	_ =	strace $0x9FFFFFFF  }
0xc2: {  	(tm) =	ssettm $0x7FFFFFFF  }
0xc3: {  	_ =	shalt  }
tec
execute0_lowered:
.L_overlay_start_1:
0x0: {  	(tag) =	ssettag $0x1  }
0x1: {  	s6 =	rddreg [dreg:$0x0]  }
0x2: {  	s2 =	rddreg [dreg:$0x1]  }
0x3: {  	s0 =	rddreg [dreg:$0x2]  }
0x4: {  	s4 =	srdreg.scid;
	s1 =	stileid.u32;
	s3 =	simm.s32 $0x0  }
0x5: {  	s16 =	simm.s32 $0xD0;
	s17 =	simm.s32 $0x39E0;
	s18 =	simm.s32 $0x1  }
0x6: {  	s19 =	simm.s32 $0x68;
	s20 =	simm.s32 $0x2;
	s21 =	simm.s32 $0x138  }
0x7: {  	s7 =	sand.u32 $0x1, s4;
	s8 =	smul.u32 $0x2D00, s1;
	[smem:$0x7FF] =	sst s3  }
0x8: {  	s4 =	sadd.s32 $0x17200, s6;
	s10 =	sadd.s32 $0x2C00, s6;
	s12 =	smul.u32 $0x5A000, s1  }
0x9: {  	s5 =	sadd.s32 $0x43200, s6;
	s29 =	sshll.u32 s1, $0x6;
	s15 =	smul.u32 $0xA28, s1  }
0xa: {  	s9 =	smul.u32 $0x2D000, s7;
	_ =	strace $0x80000047;
	s22 =	ssub.s32 $0x2, s7  }
0xb: {  	s11 =	sshll.u32 s7, $0x4;
	s14 =	smul.u32 $0xA280, s7;
	s23 =	sshrl.u32 s22, $0x1  }
0xc: {  	s24 =	sor.u32 s1, s11;
	s26 =	sshrl.u32 s12, $0x2;
	s8 =	sadd.s32 s8, s9  }
0xd: {  	s25 =	ssub.s32 s22, s23;
	s28 =	smul.u32 $0x5140, s24;
	s12 =	sadd.s32 s26, s2  }
0xe: {  	s31 =	sadd.s32 s14, s10;
	s14 =	simm.s32 $0x64;
	s22 =	simm.s32 $0x3  }
0xf: {  	s23 =	simm.s32 $0x4;
	s13 =	sadd.s32 s8, s6;
	s8 =	smul.u32 $0xA28, s24  }
0x10: {  	s6 =	sor.u32 $0x1C05, s29;
	s11 =	sadd.s32 s15, s31;
	s12 =	sshrl.u32 s12, $0x3  }
0x11: {  	s15 =	simm.s32 $0x1A0;
	s24 =	simm.s32 $0x0;
	s9 =	sshrl.u32 s28, $0x3  }
0x12: {  	s7 =	sadd.s32 s10, s8;
	s30 =	sadd.s32 s10, s9;
	s9 =	sadd.s32 $0x46000, s13  }
0x13: {  	s10 =	smax.u32 s25, $0x1;
	s13 =	simm.s32 $0x5;
	s8 =	sadd.s32 $0x1A, s30  }
.LBB2_1:
0x14: {  	[spmem:s12], [sflag:s6] =	dma.local [hbm:s5], $0x2D00  }
0x15: {  	_ =	swait.ge [sflag:s13], $0x2D00  }
0x16: {  	[sflag:s13] =	ssyncset.done $0x0  }
0x17: {  	[sflag:s13] =	ssyncadd.s32 $0xFFFFD300  }
0x18: {  	[bflag:$0x0] =	sbarrier.arrive $0xFFFF  }
0x19: {  	[tilespmem:s3], [sflag:$0x5] =	stream.linear.gather [hbm4b:s7+s3], $0xD0, $0x38;
	[tilespmem:$0x1DB40] =	vst v63  }
0x1a: {  	_ =	swait.ge [sflag:s13], $0xD0  }
0x1b: {  	[sflag:s13] =	ssyncset.done $0x0  }
0x1c: {  	[sflag:s13] =	ssyncadd.s32 $0xFFFFFF30  }
0x1d: {  	[tilespmem:s15], [sflag:$0x1] =	stream.indirect.gather [hbm4b:s4+s14], $0x90, s3, s14, $0xb8;
	[tilespmem:$0x1DB40] =	vst v63  }
0x1e: {  	_ = 	snop  }
0x1f: {  	[tilespmem:s16], [sflag:$0x5] =	stream.linear.gather [hbm4b:s8+s3], $0xD0, $0x38;
	[tilespmem:$0x1DB40] =	vst v63  }
0x20: {  	_ =	swait.ge [sflag:s13], $0xD0  }
0x21: {  	[sflag:s13] =	ssyncset.done $0x0  }
0x22: {  	[sflag:s13] =	ssyncadd.s32 $0xFFFFFF30  }
0x23: {  	[tilespmem:s17], [sflag:$0x2] =	stream.indirect.gather [hbm4b:s4+s14], $0x90, s16, s14, $0xb8;
	[tilespmem:$0x1DB40] =	vst v63  }
0x24: {  	_ =	swait.ge [sflag:s18], $0x3840  }
0x25: {  	[sflag:s18] =	ssyncset.done $0x0  }
0x26: {  	[sflag:s18] =	ssyncadd.s32 $0xFFFFC7C0  }
0x27: {  	[spmem:s2] =	stream.indirect.scatter.add.f32 [tilespmem:s15], [sflag:$0x3], $0x90, s19, s14, $0xb8;
	[tilespmem:$0x1DB40] =	vst v63  }
0x28: {  	_ =	swait.ge [sflag:s20], $0x3840  }
0x29: {  	[sflag:s20] =	ssyncset.done $0x0  }
0x2a: {  	[sflag:s20] =	ssyncadd.s32 $0xFFFFC7C0  }
0x2b: {  	[spmem:s2] =	stream.indirect.scatter.add.f32 [tilespmem:s17], [sflag:$0x4], $0x90, s21, s14, $0xb8;
	[tilespmem:$0x1DB40] =	vst v63  }
0x2c: {  	_ =	swait.ge [sflag:s22], $0x3840  }
0x2d: {  	s25 =	sadd.s32 $0xFFFFF60C, s11;
	[sflag:s22] =	ssyncset.done $0x0  }
0x2e: {  	s26 =	sadd.s32 $0xA28, s25;
	[sflag:s22] =	ssyncadd.s32 $0xFFFFC7C0  }
0x2f: {  	[tilespmem:s3], [sflag:$0x5] =	stream.linear.gather [hbm4b:s26+s3], $0xD0, $0x38;
	[tilespmem:$0x1DB40] =	vst v63  }
0x30: {  	_ =	swait.ge [sflag:s13], $0xD0  }
0x31: {  	[sflag:s13] =	ssyncset.done $0x0  }
0x32: {  	[sflag:s13] =	ssyncadd.s32 $0xFFFFFF30  }
0x33: {  	[tilespmem:s15], [sflag:$0x1] =	stream.indirect.gather [hbm4b:s4+s14], $0x90, s3, s14, $0xb8;
	[tilespmem:$0x1DB40] =	vst v63  }
0x34: {  	_ =	swait.ge [sflag:s23], $0x3840  }
0x35: {  	[sflag:s23] =	ssyncset.done $0x0  }
0x36: {  	s25 =	sadd.s32 $0xA42, s25;
	[sflag:s23] =	ssyncadd.s32 $0xFFFFC7C0  }
0x37: {  	[tilespmem:s16], [sflag:$0x5] =	stream.linear.gather [hbm4b:s25+s3], $0xD0, $0x38;
	[tilespmem:$0x1DB40] =	vst v63  }
0x38: {  	_ =	swait.ge [sflag:s13], $0xD0  }
0x39: {  	[sflag:s13] =	ssyncset.done $0x0  }
0x3a: {  	s25 =	simm.s32 $0xFFFFF640;
	[sflag:s13] =	ssyncadd.s32 $0xFFFFFF30  }
.LBB2_2:
0x3b: {  	[tilespmem:s17], [sflag:$0x2] =	stream.indirect.gather [hbm4b:s4+s14], $0x90, s16, s14, $0xb8;
	[tilespmem:$0x1DB40] =	vst v63  }
0x3c: {  	s26 =	smov.u32 s25  }
0x3d: {  	p0 =	sne.s32 s25, $0xFFFFFFCC;
	s25 =	sadd.s32 $0x34, s25;
	_ =	swait.ge [sflag:s18], $0x3840  }
0x3e: {  	[sflag:s18] =	ssyncset.done $0x0  }
0x3f: {  	[sflag:s18] =	ssyncadd.s32 $0xFFFFC7C0  }
0x40: {  	[spmem:s2] =	stream.indirect.scatter.add.f32 [tilespmem:s15], [sflag:$0x3], $0x90, s19, s14, $0xb8;
	[tilespmem:$0x1DB40] =	vst v63  }
0x41: {  	_ =	swait.ge [sflag:s20], $0x3840  }
0x42: {  	[sflag:s20] =	ssyncset.done $0x0  }
0x43: {  	[sflag:s20] =	ssyncadd.s32 $0xFFFFC7C0  }
0x44: {  	[spmem:s2] =	stream.indirect.scatter.add.f32 [tilespmem:s17], [sflag:$0x4], $0x90, s21, s14, $0xb8;
	[tilespmem:$0x1DB40] =	vst v63  }
0x45: {  	_ =	swait.ge [sflag:s22], $0x3840  }
0x46: {  	s26 =	sadd.s32 s26, s11;
	[sflag:s22] =	ssyncset.done $0x0  }
0x47: {  	s28 =	sadd.s32 $0xA28, s26;
	[sflag:s22] =	ssyncadd.s32 $0xFFFFC7C0  }
0x48: {  	[tilespmem:s3], [sflag:$0x5] =	stream.linear.gather [hbm4b:s28+s3], $0xD0, $0x38;
	[tilespmem:$0x1DB40] =	vst v63  }
0x49: {  	_ =	swait.ge [sflag:s13], $0xD0  }
0x4a: {  	[sflag:s13] =	ssyncset.done $0x0  }
0x4b: {  	[sflag:s13] =	ssyncadd.s32 $0xFFFFFF30  }
0x4c: {  	[tilespmem:s15], [sflag:$0x1] =	stream.indirect.gather [hbm4b:s4+s14], $0x90, s3, s14, $0xb8;
	[tilespmem:$0x1DB40] =	vst v63  }
0x4d: {  	_ =	swait.ge [sflag:s23], $0x3840  }
0x4e: {  	[sflag:s23] =	ssyncset.done $0x0  }
.Ltmp0:
0x4f: {  	s26 =	sadd.s32 $0xA42, s26;
	[sflag:s23] =	ssyncadd.s32 $0xFFFFC7C0;
	(pc) =	sbr.rel @p0 .LBB2_2-.Ltmp0, $4  }
0x50: {  	[tilespmem:s16], [sflag:$0x5] =	stream.linear.gather [hbm4b:s26+s3], $0xD0, $0x38;
	[tilespmem:$0x1DB40] =	vst v63  }
0x51: {  	_ =	swait.ge [sflag:s13], $0xD0  }
0x52: {  	[sflag:s13] =	ssyncset.done $0x0  }
0x53: {  	[sflag:s13] =	ssyncadd.s32 $0xFFFFFF30  }
0x54: {  	[tilespmem:s17], [sflag:$0x2] =	stream.indirect.gather [hbm4b:s4+s14], $0x90, s16, s14, $0xb8;
	[tilespmem:$0x1DB40] =	vst v63  }
0x55: {  	_ =	swait.ge [sflag:s18], $0x3840  }
0x56: {  	[sflag:s18] =	ssyncset.done $0x0  }
0x57: {  	[sflag:s18] =	ssyncadd.s32 $0xFFFFC7C0  }
0x58: {  	[spmem:s2] =	stream.indirect.scatter.add.f32 [tilespmem:s15], [sflag:$0x3], $0x90, s19, s14, $0xb8;
	[tilespmem:$0x1DB40] =	vst v63  }
0x59: {  	_ =	swait.ge [sflag:s20], $0x3840  }
0x5a: {  	[sflag:s20] =	ssyncset.done $0x0  }
0x5b: {  	[sflag:s20] =	ssyncadd.s32 $0xFFFFC7C0  }
0x5c: {  	[spmem:s2] =	stream.indirect.scatter.add.f32 [tilespmem:s17], [sflag:$0x4], $0x90, s21, s14, $0xb8;
	[tilespmem:$0x1DB40] =	vst v63  }
0x5d: {  	_ =	swait.ge [sflag:s22], $0x3840  }
0x5e: {  	[sflag:s22] =	ssyncset.done $0x0  }
0x5f: {  	[sflag:s22] =	ssyncadd.s32 $0xFFFFC7C0  }
0x60: {  	_ =	swait.ge [sflag:s23], $0x3840  }
0x61: {  	s24 =	sadd.s32 $0x1, s24;
	[sflag:s23] =	ssyncset.done $0x0  }
0x62: {  	p0 =	sne.s32 s24, s10;
	[sflag:s23] =	ssyncadd.s32 $0xFFFFC7C0  }
.Ltmp1:
0x63: {  	[bflag:$0x0] =	sbarrier.arrive $0xFFFF;
	(pc) =	sbr.rel @p0 .LBB2_1-.Ltmp1, $4  }
0x64: {  	[hbm:s9], [sflag:s6] =	dma.local [spmem:s12], $0x2D00  }
0x65: {  	_ =	swait.ge [sflag:s13], $0x2D00  }
0x66: {  	[sflag:s13] =	ssyncset.done $0x0  }
0x67: {  	[sflag:s13] =	ssyncadd.s32 $0xFFFFD300  }
0x68: {  	_ =	sfence.sel $0x180000  }
0x69: {  	[bflag:$0x0] =	sbarrier.arrive $0xFFFF  }
0x6a: {  	p0 =	sne.s32 s1, $0x0;
	_ =	strace $0x90000047  }
0x6b: {  	s0 =	sadd.s32 @!p0 $0x100000, s0;
	[bflag:$0x2] =	sbarrier.arrive $0xFFFF  }
0x6c: {  	[sflag:s0] =	ssyncadd.tile.s32 @!p0 $0x1;
	_ =	shalt  }
.Lfunc_end2:
_tile_overlayer_lowered:
.L_overlay_start_2:
0x6d: {  	(tag) =	ssettag $0x2  }
0x6e: {  	s0 =	rddreg [dreg:$0x0];
	s2 =	stileid.u32  }
0x6f: {  	s1 =	rddreg [dreg:$0x1];
	p0 =	sne.s32 s2, $0x0  }
0x70: {  	s3 =	rddreg [dreg:$0x2];
	[bflag:$0x3] =	sbarrier.arrive $0xFFFF;
	s2 =	simm.s32 @!p0 $0x1C05  }
0x71: {  	[timem:s3], [sflag:s2] =	dma.local @!p0 [hbm:s0], s1  }
0x72: {  	s0 =	simm.s32 @!p0 $0x5  }
0x73: {  	_ =	swait.ge @!p0 [sflag:s0], s1  }
0x74: {  	s1 =	ssub.s32 @!p0 $0x0, s1;
	[sflag:s0] =	ssyncset.done @!p0 $0x0  }
0x75: {  	[sflag:s0] =	ssyncadd.s32 @!p0 s1  }
0x76: {  	[bflag:$0x3] =	sbarrier.arrive $0xFFFF  }
0x77: {  	_ =	shalt  }

// kernel: kernel.9.cloned.1.call-start
scs
__scs_entry_jumppad:
0x0: {  	(pc) =	sbr.rel $0x88, $3  }
0x1: {  	(tag) =	ssettag $0x0;
	lr =	simm.s32 $0x1  }
0x2: {  	[smem:$0x3F97] =	sst lr;
	_ =	strace $0xD0000000  }
0x3: {  	_ = 	snop  }
0x4: {  	_ = 	snop  }
0x5: {  	_ = 	snop  }
0x6: {  	_ = 	snop  }
0x7: {  	_ = 	snop  }
__scs_overlays_trampoline_lowered:
0x8: {  	[smem:$0x3FA6] =	sst s0  }
0x9: {  	[smem:$0x3FA7] =	sst s1  }
0xa: {  	[smem:$0x3FA8] =	sst s2  }
0xb: {  	[smem:$0x3FA9] =	sst s3  }
0xc: {  	[smem:$0x3FAA] =	sst s4  }
0xd: {  	[smem:$0x3FAB] =	sst s5  }
0xe: {  	[smem:$0x3FAC] =	sst s6  }
0xf: {  	[smem:$0x3FAD] =	sst s7  }
0x10: {  	[smem:$0x3FAE] =	sst s8  }
0x11: {  	[smem:$0x3FAF] =	sst s9;
	s0 =	simm.s32 @!p0 $0x0  }
0x12: {  	s1 =	sld [smem:$0x3F95];
	s0 =	simm.s32 @p0 $0x1  }
0x13: {  	[smem:$0x3FB0] =	sst s0;
	s0 =	simm.s32 @!p1 $0x0  }
0x14: {  	s2 =	sld [smem:$0x3F94];
	s0 =	simm.s32 @p1 $0x1  }
0x15: {  	[smem:$0x3FB1] =	sst s0;
	s0 =	simm.s32 @!p2 $0x0  }
0x16: {  	s3 =	sld [smem:$0x3FDB];
	s0 =	simm.s32 @p2 $0x1  }
0x17: {  	s4 =	simm.s32 $0x1BF5;
	[smem:$0x3FB3] =	sst s0  }
0x18: {  	s0 =	sld [smem:$0x3F96];
	_ =	swait.ge [sflag:s4], $0x0  }
0x19: {  	s7 =	sld [smem:$0x3F97]  }
0x1a: {  	s8 =	sadd.s32 $0xFFFFE003, lr  }
0x1b: {  	s9 =	sadd.s32 $0xFFFFFEF7, lr;
	s5 =	simm.s32 $0xFFFFFFFF;
	p2 =	slt.u32 s8, $0xFFFFF086  }
0x1c: {  	p1 =	slt.u32 s9, $0xF7A;
	s5 =	simm.s32 @!p2 $0x0  }
0x1d: {  	s5 =	simm.s32 @p1 $0x1;
	p0 =	seq.s32 s7, s2  }
0x1e: {  	s7 =	smul.u32 @!p0 $0xF7A, s2;
	p2 =	seq.s32 @!p0 s5, $0x0  }
0x1f: {  	s9 =	smul.u32 $0xF7A, s1;
	s8 =	simm.s32 @!p0 $0x1BF5;
	p2 =	por !p2, p0  }
0x20: {  	[sflag:s8] =	ssyncset.s32 @!p0 $0xFFFFF086;
	s6 =	sadd.s32 @!p0 s3, s7;
	s7 =	simm.s32 @!p0 $0x108  }
0x21: {  	s3 =	sadd.s32 s3, s9;
	s6 =	sadd.s32 @!p0 $0x88, s6;
	s7 =	simm.s32 @p2 $0x1082  }
0x22: {  	[simem:s7], [sflag:s8] =	dma.local @!p0 [hbm:s6], $0xF7A  }
0x23: {  	s9 =	sor.u32 $0xD0000000, s2;
	s6 =	simm.s32 $0x108;
	_ =	swait.ge @!p0 [sflag:s8], $0x0  }
0x24: {  	s3 =	sadd.s32 $0x88, s3;
	s6 =	simm.s32 @!p1 $0x1082;
	[sflag:s4] =	ssyncset.s32 $0xFFFFF086  }
0x25: {  	[simem:s6], [sflag:s4] =	dma.local [hbm:s3], $0xF7A  }
0x26: {  	[smem:$0x3F97] =	sst s1;
	(tag) =	ssettag s2;
	_ =	strace s9  }
0x27: {  	s1 =	sld [smem:$0x3FA7]  }
0x28: {  	s2 =	sld [smem:$0x3FA8]  }
0x29: {  	s4 =	sld [smem:$0x3FAA]  }
0x2a: {  	p0 =	seq.s32 s5, $0x0;
	s5 =	sld [smem:$0x3FAB]  }
0x2b: {  	s6 =	sld [smem:$0x3FAC]  }
0x2c: {  	s7 =	sld [smem:$0x3FAD]  }
0x2d: {  	s3 =	simm.s32 $0x108;
	s8 =	sld [smem:$0x3FAE]  }
0x2e: {  	s3 =	simm.s32 @!p0 $0x1082;
	s9 =	sld [smem:$0x3FAF]  }
0x2f: {  	lr =	sadd.s32 s0, s3;
	s0 =	sld [smem:$0x3FA6]  }
0x30: {  	s3 =	sld [smem:$0x3FA9]  }
0x31: {  	[smem:$0x3FB2] =	sst s10  }
0x32: {  	s10 =	sld [smem:$0x3FB0];
	_ =	sdelay $0x3  }
0x33: {  	p0 =	seq.s32 s10, $0x1;
	s10 =	sld [smem:$0x3FB2];
	_ =	sdelay $0x3  }
0x34: {  	[smem:$0x3FB2] =	sst s10  }
0x35: {  	s10 =	sld [smem:$0x3FB1];
	_ =	sdelay $0x3  }
0x36: {  	p1 =	seq.s32 s10, $0x1;
	s10 =	sld [smem:$0x3FB2];
	_ =	sdelay $0x3  }
0x37: {  	[smem:$0x3FB2] =	sst s10  }
0x38: {  	s10 =	sld [smem:$0x3FB3]  }
0x39: {  	_ = 	snop;
	(pc) =	sbr.ind lr, $3  }
0x3a: {  	_ = 	snop  }
0x3b: {  	_ = 	snop  }
0x3c: {  	p2 =	seq.s32 s10, $0x1;
	s10 =	sld [smem:$0x3FB2]  }
0x3d: {  	_ =	shalt  }
0x3e: {  	_ =	shalt  }
0x3f: {  	_ =	shalt  }
0x40: {  	_ =	shalt  }
0x41: {  	_ =	shalt  }
0x42: {  	_ =	shalt  }
0x43: {  	_ =	shalt  }
0x44: {  	_ =	shalt  }
0x45: {  	_ =	shalt  }
0x46: {  	_ =	shalt  }
0x47: {  	_ =	shalt  }
0x48: {  	_ =	shalt  }
0x49: {  	_ =	shalt  }
0x4a: {  	_ =	shalt  }
0x4b: {  	_ =	shalt  }
0x4c: {  	_ =	shalt  }
0x4d: {  	_ =	shalt  }
0x4e: {  	_ =	shalt  }
0x4f: {  	_ =	shalt  }
0x50: {  	_ =	shalt  }
0x51: {  	_ =	shalt  }
0x52: {  	_ =	shalt  }
0x53: {  	_ =	shalt  }
0x54: {  	_ =	shalt  }
0x55: {  	_ =	shalt  }
0x56: {  	_ =	shalt  }
0x57: {  	_ =	shalt  }
0x58: {  	_ =	shalt  }
0x59: {  	_ =	shalt  }
0x5a: {  	_ =	shalt  }
0x5b: {  	_ =	shalt  }
0x5c: {  	_ =	shalt  }
0x5d: {  	_ =	shalt  }
0x5e: {  	_ =	shalt  }
0x5f: {  	_ =	shalt  }
0x60: {  	_ =	shalt  }
0x61: {  	_ =	shalt  }
0x62: {  	_ =	shalt  }
0x63: {  	_ =	shalt  }
0x64: {  	_ =	shalt  }
0x65: {  	_ =	shalt  }
0x66: {  	_ =	shalt  }
0x67: {  	_ =	shalt  }
0x68: {  	_ =	shalt  }
0x69: {  	_ =	shalt  }
0x6a: {  	_ =	shalt  }
0x6b: {  	_ =	shalt  }
0x6c: {  	_ =	shalt  }
0x6d: {  	_ =	shalt  }
0x6e: {  	_ =	shalt  }
0x6f: {  	_ =	shalt  }
0x70: {  	_ =	shalt  }
0x71: {  	_ =	shalt  }
0x72: {  	_ =	shalt  }
0x73: {  	_ =	shalt  }
0x74: {  	_ =	shalt  }
0x75: {  	_ =	shalt  }
0x76: {  	_ =	shalt  }
0x77: {  	_ =	shalt  }
0x78: {  	_ =	shalt  }
0x79: {  	_ =	shalt  }
0x7a: {  	_ =	shalt  }
0x7b: {  	_ =	shalt  }
0x7c: {  	_ =	shalt  }
0x7d: {  	_ =	shalt  }
0x7e: {  	_ =	shalt  }
0x7f: {  	_ =	shalt  }
0x80: {  	_ =	shalt  }
0x81: {  	_ =	shalt  }
0x82: {  	_ =	shalt  }
0x83: {  	_ =	shalt  }
0x84: {  	_ =	shalt  }
0x85: {  	_ =	shalt  }
0x86: {  	_ =	shalt  }
0x87: {  	_ =	shalt  }
.Lfunc_end0:
.L_simem_size_0:
called_computation.1_lowered:
.L_overlay_start_0:
0x88: {  	s2 =	sld [smem:$0x3FD9]  }
0x89: {  	s3 =	sld [smem:$0x3FFE];
	_ =	sdelay $0x1  }
0x8a: {  	s1 =	srdreg.scid  }
0x8b: {  	s0 =	sand.u32 $0x1, s1  }
0x8c: {  	s16 =	sshll.u32 s0, $0xA;
	s2 =	sadd.s32 s3, s2  }
0x8d: {  	s2 =	sadd.s32 s2, s16  }
0x8e: {  	[smem:$0x3FBE] =	sst s2  }
0x8f: {  	_ = 	snop  }
0x90: {  	(tm) =	ssettm $0x1  }
0x91: {  	s17 =	sld [smem:$0x3FFB];
	_ =	sdelay $0x3  }
0x92: {  	_ =	strace s17  }
0x93: {  	s2 =	sld [smem:$0x3FFC];
	_ =	sdelay $0x3  }
0x94: {  	_ =	strace s2  }
0x95: {  	s2 =	sld [smem:$0x3FFD];
	_ =	sdelay $0x3  }
0x96: {  	_ =	strace s2  }
0x97: {  	_ =	strace $0x8FFFFFFF  }
0x98: {  	s18 =	sld [smem:$0x3FDB];
	_ =	sdelay $0x1  }
0x99: {  	s19 =	simm.s32 $_scs_section_size  }
0x9a: {  	s4 =	simm.s32 $_size__tile_overlayer_lowered;
	s5 =	simm.s32 $_tile_overlayer_lowered  }
0x9b: {  	s22 =	simm.s32 $0x1BFF;
	s21 =	sshll.u32 s5, $0x1;
	s2 =	sadd.s32 s19, s18  }
0x9c: {  	s6 =	simm.s32 $0x0;
	s20 =	sshll.u32 s4, $0x1;
	s4 =	sadd.s32 s21, s2  }
0x9d: {  	[timem:s6], [sflag:s22] =	dma.local [hbm:s4], s20  }
0x9e: {  	_ =	swait.ge [sflag:s22], s20  }
0x9f: {  	s3 =	ssub.s32 $0x0, s20;
	[sflag:s22] =	ssyncset.done $0x0  }
0xa0: {  	[sflag:s22] =	ssyncadd.s32 s3;
	_ =	sdelay $0x1  }
0xa1: {  	s23 =	simm.s32 $0x1B8B  }
0xa2: {  	_ =	swait.ge [sflag:s23], $0x1  }
0xa3: {  	[sflag:s23] =	ssyncset.done $0x0  }
0xa4: {  	s25 =	simm.s32 $0x1B8E;
	s24 =	sld [smem:$0x3FFE];
	[sflag:s23] =	ssyncadd.s32 $0xFFFFFFFF  }
0xa5: {  	s26 =	simm.s32 $execute0_lowered;
	[smem:$0x3FD2] =	sst s25  }
0xa6: {  	s4 =	sshll.u32 s26, $0x1;
	_ =	strace $0x80000049;
	[dreg:$0x1] =	wrdreg $0xFFFFFFFF  }
0xa7: {  	s28 =	simm.s32 $_size_execute0_lowered;
	s2 =	sadd.s32 s2, s4;
	[dreg:$0x0] =	wrdreg $0x0  }
0xa8: {  	s4 =	sshll.u32 s28, $0x1;
	[dreg:$0x2] =	wrdreg s2  }
0xa9: {  	[dreg:$0x3] =	wrdreg s4  }
0xaa: {  	[dreg:$0x4] =	wrdreg $0xC0  }
0xab: {  	_ =	task [dreg:s6], $0x5FFFF  }
0xac: {  	[dreg:$0x1] =	wrdreg $0xFFFFFFFF  }
0xad: {  	[dreg:$0x0] =	wrdreg $0x60  }
0xae: {  	[dreg:$0x2] =	wrdreg s24  }
0xaf: {  	[dreg:$0x3] =	wrdreg $0x98700  }
0xb0: {  	[dreg:$0x4] =	wrdreg $0x9  }
0xb1: {  	_ =	task.clear_ibuf [dreg:s6], $0x5FFFF;
	_ =	strace $0x90000049  }
0xb2: {  	s29 =	simm.s32 $0x9;
	_ =	strace $0x8000004B  }
0xb3: {  	_ =	swait.ge [sflag:s29], $0x1  }
0xb4: {  	[sflag:s29] =	ssyncadd.s32 $0xFFFFFFFF  }
0xb5: {  	_ =	strace $0x9000004B  }
0xb6: {  	_ =	sfence  }
0xb7: {  	s30 =	sld [smem:$0x0];
	_ =	sdelay $0x2  }
0xb8: {  	s31 =	sshll.u32 s1, $0xD;
	s1 =	sshrl.u32 s1, $0x2  }
0xb9: {  	s3 =	sand.u32 $0x4000, s31;
	s1 =	sadd.s32 s1, s30  }
0xba: {  	s0 =	sor.u32 s3, s0;
	s1 =	sshll.u32 s1, $0x11  }
0xbb: {  	s0 =	sor.u32 s1, s0  }
0xbc: {  	s0 =	sadd.s32 $0x8F2B, s0  }
0xbd: {  	[sflag:s0] =	ssyncadd.remote.s32 $0x1  }
0xbe: {  	_ =	sfence.sel $0xFFFF  }
0xbf: {  	[dreg:$0x0] =	wrdreg $0xFFFFFFFF;
	(pc) =	sbr.abs _section_cstart, $3  }
0xc0: {  	[dreg:$0x1] =	wrdreg $0xFFFFFFFF  }
0xc1: {  	_ =	task.clear_ibuf [dreg:s6], $0x2FFFF;
	_ =	strace $0x9FFFFFFF  }
0xc2: {  	(tm) =	ssettm $0x7FFFFFFF  }
0xc3: {  	_ =	shalt  }
tec
execute0_lowered:
.L_overlay_start_1:
0x0: {  	(tag) =	ssettag $0x1  }
0x1: {  	s0 =	rddreg [dreg:$0x0]  }
0x2: {  	s1 =	rddreg [dreg:$0x1]  }
0x3: {  	s3 =	simm.s32 $0x0;
	s2 =	srdreg.scid;
	s5 =	stileid.u32  }
0x4: {  	s16 =	simm.s32 $0x64;
	s17 =	simm.s32 $0x270;
	s18 =	simm.s32 $0xD0  }
0x5: {  	s19 =	simm.s32 $0x3470;
	s20 =	simm.s32 $0x1A0;
	s28 =	simm.s32 $0x208  }
0x6: {  	s29 =	simm.s32 $0x4;
	s30 =	simm.s32 $0x5;
	s31 =	simm.s32 $0x6  }
0x7: {  	[smem:$0x7FF] =	sst s3;
	s2 =	sand.u32 $0x1, s2;
	s6 =	smul.u32 $0x2800, s5  }
0x8: {  	s4 =	sadd.s32 $0x17200, s0;
	s11 =	sadd.s32 $0x2C00, s0;
	s9 =	smul.u32 $0x50000, s5  }
0x9: {  	s8 =	sadd.s32 $0x3E400, s0;
	s23 =	sshll.u32 s5, $0x6;
	s15 =	smul.u32 $0xA28, s5  }
0xa: {  	_ =	strace $0x8000004A;
	s7 =	smul.u32 $0x28000, s2;
	[dreg:$0x3] =	wrdreg s8  }
0xb: {  	s21 =	sshll.u32 s2, $0x4;
	s22 =	ssub.s32 $0x2, s2;
	s2 =	smul.u32 $0xA280, s2  }
0xc: {  	s8 =	sor.u32 s5, s21;
	s10 =	sshrl.u32 s22, $0x1;
	s9 =	sshrl.u32 s9, $0x2  }
0xd: {  	s21 =	simm.s32 $0x6670;
	s6 =	sadd.s32 s6, s7;
	s12 =	smul.u32 $0x5140, s8  }
0xe: {  	s13 =	ssub.s32 s22, s10;
	s14 =	sadd.s32 s9, s1;
	s24 =	smul.u32 $0xA28, s8  }
0xf: {  	s2 =	sadd.s32 s2, s11;
	s22 =	simm.s32 $0x1;
	s0 =	sadd.s32 s6, s0  }
0x10: {  	s6 =	sor.u32 $0x1C07, s23;
	s14 =	sshrl.u32 s14, $0x3;
	s23 =	simm.s32 $0x68  }
0x11: {  	s25 =	sshrl.u32 s12, $0x3;
	s7 =	sadd.s32 s11, s24;
	s12 =	smax.u32 s13, $0x1  }
0x12: {  	s13 =	sadd.s32 s15, s2;
	s15 =	simm.s32 $0x7;
	s24 =	simm.s32 $0x2  }
0x13: {  	s26 =	sadd.s32 s11, s25;
	[dreg:$0x4] =	wrdreg s7;
	s11 =	sadd.s32 $0x40C00, s0  }
0x14: {  	s25 =	simm.s32 $0x138;
	s0 =	simm.s32 $0x0;
	s8 =	sadd.s32 $0x1A, s26  }
0x15: {  	s9 =	sadd.s32 $0x34, s26;
	s10 =	sadd.s32 $0xA0E, s26;
	s26 =	simm.s32 $0x3  }
.LBB2_1:
0x16: {  	s2 =	rddreg [dreg:$0x3]  }
0x17: {  	[spmem:s14], [sflag:s6] =	dma.local [hbm:s2], $0x2800  }
0x18: {  	_ =	swait.ge [sflag:s15], $0x2800  }
0x19: {  	[sflag:s15] =	ssyncset.done $0x0  }
0x1a: {  	[sflag:s15] =	ssyncadd.s32 $0xFFFFD800  }
0x1b: {  	[bflag:$0x0] =	sbarrier.arrive $0xFFFF  }
0x1c: {  	s5 =	rddreg [dreg:$0x4]  }
0x1d: {  	[tilespmem:s3], [sflag:$0x7] =	stream.linear.gather [hbm4b:s5+s3], $0xD0, $0x38;
	[tilespmem:$0x1D970] =	vst v63  }
0x1e: {  	_ =	swait.ge [sflag:s15], $0xD0  }
0x1f: {  	[sflag:s15] =	ssyncset.done $0x0  }
0x20: {  	[sflag:s15] =	ssyncadd.s32 $0xFFFFFF30  }
0x21: {  	[tilespmem:s17], [sflag:$0x1] =	stream.indirect.gather [hbm4b:s4+s16], $0x80, s3, s16, $0xb8;
	[tilespmem:$0x1D970] =	vst v63  }
0x22: {  	_ = 	snop  }
0x23: {  	[tilespmem:s18], [sflag:$0x7] =	stream.linear.gather [hbm4b:s8+s3], $0xD0, $0x38;
	[tilespmem:$0x1D970] =	vst v63  }
0x24: {  	_ =	swait.ge [sflag:s15], $0xD0  }
0x25: {  	[sflag:s15] =	ssyncset.done $0x0  }
0x26: {  	[sflag:s15] =	ssyncadd.s32 $0xFFFFFF30  }
0x27: {  	[tilespmem:s19], [sflag:$0x2] =	stream.indirect.gather [hbm4b:s4+s16], $0x80, s18, s16, $0xb8;
	[tilespmem:$0x1D970] =	vst v63  }
0x28: {  	_ = 	snop  }
0x29: {  	[tilespmem:s20], [sflag:$0x7] =	stream.linear.gather [hbm4b:s9+s3], $0xD0, $0x38;
	[tilespmem:$0x1D970] =	vst v63  }
0x2a: {  	_ =	swait.ge [sflag:s15], $0xD0  }
0x2b: {  	[sflag:s15] =	ssyncset.done $0x0  }
0x2c: {  	[sflag:s15] =	ssyncadd.s32 $0xFFFFFF30  }
0x2d: {  	[tilespmem:s21], [sflag:$0x3] =	stream.indirect.gather [hbm4b:s4+s16], $0x80, s20, s16, $0xb8;
	[tilespmem:$0x1D970] =	vst v63  }
0x2e: {  	_ =	swait.ge [sflag:s22], $0x3200  }
0x2f: {  	[sflag:s22] =	ssyncset.done $0x0  }
0x30: {  	[sflag:s22] =	ssyncadd.s32 $0xFFFFCE00  }
0x31: {  	[spmem:s1] =	stream.indirect.scatter.add.f32 [tilespmem:s17], [sflag:$0x4], $0x80, s23, s16, $0xb8;
	[tilespmem:$0x1D970] =	vst v63  }
0x32: {  	_ =	swait.ge [sflag:s24], $0x3200  }
0x33: {  	[sflag:s24] =	ssyncset.done $0x0  }
0x34: {  	[sflag:s24] =	ssyncadd.s32 $0xFFFFCE00  }
0x35: {  	[spmem:s1] =	stream.indirect.scatter.add.f32 [tilespmem:s19], [sflag:$0x5], $0x80, s25, s16, $0xb8;
	[tilespmem:$0x1D970] =	vst v63  }
0x36: {  	_ =	swait.ge [sflag:s26], $0x3200  }
0x37: {  	[sflag:s26] =	ssyncset.done $0x0  }
0x38: {  	[sflag:s26] =	ssyncadd.s32 $0xFFFFCE00  }
0x39: {  	[spmem:s1] =	stream.indirect.scatter.add.f32 [tilespmem:s21], [sflag:$0x6], $0x80, s28, s16, $0xb8;
	[tilespmem:$0x1D970] =	vst v63  }
0x3a: {  	_ =	swait.ge [sflag:s29], $0x3200  }
0x3b: {  	s2 =	sadd.s32 $0xFFFFF640, s13;
	[sflag:s29] =	ssyncset.done $0x0  }
0x3c: {  	s5 =	sadd.s32 $0xA0E, s2;
	[sflag:s29] =	ssyncadd.s32 $0xFFFFCE00  }
0x3d: {  	[tilespmem:s3], [sflag:$0x7] =	stream.linear.gather [hbm4b:s5+s3], $0xD0, $0x38;
	[tilespmem:$0x1D970] =	vst v63  }
0x3e: {  	_ =	swait.ge [sflag:s15], $0xD0  }
0x3f: {  	[sflag:s15] =	ssyncset.done $0x0  }
0x40: {  	[sflag:s15] =	ssyncadd.s32 $0xFFFFFF30  }
0x41: {  	[tilespmem:s17], [sflag:$0x1] =	stream.indirect.gather [hbm4b:s4+s16], $0x80, s3, s16, $0xb8;
	[tilespmem:$0x1D970] =	vst v63  }
0x42: {  	_ =	swait.ge [sflag:s30], $0x3200  }
0x43: {  	[sflag:s30] =	ssyncset.done $0x0  }
0x44: {  	s7 =	sadd.s32 $0xA28, s2;
	[sflag:s30] =	ssyncadd.s32 $0xFFFFCE00  }
0x45: {  	[tilespmem:s18], [sflag:$0x7] =	stream.linear.gather [hbm4b:s7+s3], $0xD0, $0x38;
	[tilespmem:$0x1D970] =	vst v63  }
0x46: {  	_ =	swait.ge [sflag:s15], $0xD0  }
0x47: {  	[sflag:s15] =	ssyncset.done $0x0  }
0x48: {  	[sflag:s15] =	ssyncadd.s32 $0xFFFFFF30  }
0x49: {  	[tilespmem:s19], [sflag:$0x2] =	stream.indirect.gather [hbm4b:s4+s16], $0x80, s18, s16, $0xb8;
	[tilespmem:$0x1D970] =	vst v63  }
0x4a: {  	_ =	swait.ge [sflag:s31], $0x3200  }
0x4b: {  	[sflag:s31] =	ssyncset.done $0x0  }
0x4c: {  	s2 =	sadd.s32 $0xA42, s2;
	[sflag:s31] =	ssyncadd.s32 $0xFFFFCE00  }
0x4d: {  	[tilespmem:s20], [sflag:$0x7] =	stream.linear.gather [hbm4b:s2+s3], $0xD0, $0x38;
	[tilespmem:$0x1D970] =	vst v63  }
0x4e: {  	_ =	swait.ge [sflag:s15], $0xD0  }
0x4f: {  	[sflag:s15] =	ssyncset.done $0x0  }
0x50: {  	s2 =	simm.s32 $0xFFFFF68E;
	[sflag:s15] =	ssyncadd.s32 $0xFFFFFF30  }
.LBB2_2:
0x51: {  	[tilespmem:s21], [sflag:$0x3] =	stream.indirect.gather [hbm4b:s4+s16], $0x80, s20, s16, $0xb8;
	[tilespmem:$0x1D970] =	vst v63  }
0x52: {  	s5 =	smov.u32 s2  }
0x53: {  	p0 =	sne.s32 s2, $0xFFFFFFB2;
	s2 =	sadd.s32 $0x4E, s2;
	_ =	swait.ge [sflag:s22], $0x3200  }
0x54: {  	[sflag:s22] =	ssyncset.done $0x0  }
0x55: {  	[sflag:s22] =	ssyncadd.s32 $0xFFFFCE00  }
0x56: {  	[spmem:s1] =	stream.indirect.scatter.add.f32 [tilespmem:s17], [sflag:$0x4], $0x80, s23, s16, $0xb8;
	[tilespmem:$0x1D970] =	vst v63  }
0x57: {  	_ =	swait.ge [sflag:s24], $0x3200  }
0x58: {  	[sflag:s24] =	ssyncset.done $0x0  }
0x59: {  	[sflag:s24] =	ssyncadd.s32 $0xFFFFCE00  }
0x5a: {  	[spmem:s1] =	stream.indirect.scatter.add.f32 [tilespmem:s19], [sflag:$0x5], $0x80, s25, s16, $0xb8;
	[tilespmem:$0x1D970] =	vst v63  }
0x5b: {  	_ =	swait.ge [sflag:s26], $0x3200  }
0x5c: {  	[sflag:s26] =	ssyncset.done $0x0  }
0x5d: {  	[sflag:s26] =	ssyncadd.s32 $0xFFFFCE00  }
0x5e: {  	[spmem:s1] =	stream.indirect.scatter.add.f32 [tilespmem:s21], [sflag:$0x6], $0x80, s28, s16, $0xb8;
	[tilespmem:$0x1D970] =	vst v63  }
0x5f: {  	_ =	swait.ge [sflag:s29], $0x3200  }
0x60: {  	s5 =	sadd.s32 s5, s13;
	[sflag:s29] =	ssyncset.done $0x0  }
0x61: {  	s7 =	sadd.s32 $0xA0E, s5;
	[sflag:s29] =	ssyncadd.s32 $0xFFFFCE00  }
0x62: {  	[tilespmem:s3], [sflag:$0x7] =	stream.linear.gather [hbm4b:s7+s3], $0xD0, $0x38;
	[tilespmem:$0x1D970] =	vst v63  }
0x63: {  	_ =	swait.ge [sflag:s15], $0xD0  }
0x64: {  	[sflag:s15] =	ssyncset.done $0x0  }
0x65: {  	[sflag:s15] =	ssyncadd.s32 $0xFFFFFF30  }
0x66: {  	[tilespmem:s17], [sflag:$0x1] =	stream.indirect.gather [hbm4b:s4+s16], $0x80, s3, s16, $0xb8;
	[tilespmem:$0x1D970] =	vst v63  }
0x67: {  	_ =	swait.ge [sflag:s30], $0x3200  }
0x68: {  	[sflag:s30] =	ssyncset.done $0x0  }
0x69: {  	s7 =	sadd.s32 $0xA28, s5;
	[sflag:s30] =	ssyncadd.s32 $0xFFFFCE00  }
0x6a: {  	[tilespmem:s18], [sflag:$0x7] =	stream.linear.gather [hbm4b:s7+s3], $0xD0, $0x38;
	[tilespmem:$0x1D970] =	vst v63  }
0x6b: {  	_ =	swait.ge [sflag:s15], $0xD0  }
0x6c: {  	[sflag:s15] =	ssyncset.done $0x0  }
0x6d: {  	[sflag:s15] =	ssyncadd.s32 $0xFFFFFF30  }
0x6e: {  	[tilespmem:s19], [sflag:$0x2] =	stream.indirect.gather [hbm4b:s4+s16], $0x80, s18, s16, $0xb8;
	[tilespmem:$0x1D970] =	vst v63  }
0x6f: {  	_ =	swait.ge [sflag:s31], $0x3200  }
0x70: {  	[sflag:s31] =	ssyncset.done $0x0  }
.Ltmp0:
0x71: {  	s5 =	sadd.s32 $0xA42, s5;
	[sflag:s31] =	ssyncadd.s32 $0xFFFFCE00;
	(pc) =	sbr.rel @p0 .LBB2_2-.Ltmp0, $4  }
0x72: {  	[tilespmem:s20], [sflag:$0x7] =	stream.linear.gather [hbm4b:s5+s3], $0xD0, $0x38;
	[tilespmem:$0x1D970] =	vst v63  }
0x73: {  	_ =	swait.ge [sflag:s15], $0xD0  }
0x74: {  	[sflag:s15] =	ssyncset.done $0x0  }
0x75: {  	[sflag:s15] =	ssyncadd.s32 $0xFFFFFF30  }
0x76: {  	[tilespmem:s21], [sflag:$0x3] =	stream.indirect.gather [hbm4b:s4+s16], $0x80, s20, s16, $0xb8;
	[tilespmem:$0x1D970] =	vst v63  }
0x77: {  	_ =	swait.ge [sflag:s22], $0x3200  }
0x78: {  	[sflag:s22] =	ssyncset.done $0x0  }
0x79: {  	[sflag:s22] =	ssyncadd.s32 $0xFFFFCE00  }
0x7a: {  	[spmem:s1] =	stream.indirect.scatter.add.f32 [tilespmem:s17], [sflag:$0x4], $0x80, s23, s16, $0xb8;
	[tilespmem:$0x1D970] =	vst v63  }
0x7b: {  	_ =	swait.ge [sflag:s24], $0x3200  }
0x7c: {  	[sflag:s24] =	ssyncset.done $0x0  }
0x7d: {  	[sflag:s24] =	ssyncadd.s32 $0xFFFFCE00  }
0x7e: {  	[spmem:s1] =	stream.indirect.scatter.add.f32 [tilespmem:s19], [sflag:$0x5], $0x80, s25, s16, $0xb8;
	[tilespmem:$0x1D970] =	vst v63  }
0x7f: {  	_ =	swait.ge [sflag:s26], $0x3200  }
0x80: {  	[sflag:s26] =	ssyncset.done $0x0  }
0x81: {  	[sflag:s26] =	ssyncadd.s32 $0xFFFFCE00  }
0x82: {  	[spmem:s1] =	stream.indirect.scatter.add.f32 [tilespmem:s21], [sflag:$0x6], $0x80, s28, s16, $0xb8;
	[tilespmem:$0x1D970] =	vst v63  }
0x83: {  	_ =	swait.ge [sflag:s29], $0x3200  }
0x84: {  	[sflag:s29] =	ssyncset.done $0x0  }
0x85: {  	[sflag:s29] =	ssyncadd.s32 $0xFFFFCE00  }
0x86: {  	[tilespmem:s3], [sflag:$0x7] =	stream.linear.gather [hbm4b:s10+s3], $0xD0, $0x38;
	[tilespmem:$0x1D970] =	vst v63  }
0x87: {  	_ =	swait.ge [sflag:s15], $0xD0  }
0x88: {  	[sflag:s15] =	ssyncset.done $0x0  }
0x89: {  	[sflag:s15] =	ssyncadd.s32 $0xFFFFFF30  }
0x8a: {  	[tilespmem:s17], [sflag:$0x1] =	stream.indirect.gather [hbm4b:s4+s16], $0x80, s3, s16, $0xb8;
	[tilespmem:$0x1D970] =	vst v63  }
0x8b: {  	_ =	swait.ge [sflag:s22], $0x3200  }
0x8c: {  	[sflag:s22] =	ssyncset.done $0x0  }
0x8d: {  	[sflag:s22] =	ssyncadd.s32 $0xFFFFCE00  }
0x8e: {  	[spmem:s1] =	stream.indirect.scatter.add.f32 [tilespmem:s17], [sflag:$0x4], $0x80, s23, s16, $0xb8;
	[tilespmem:$0x1D970] =	vst v63  }
0x8f: {  	_ =	swait.ge [sflag:s29], $0x3200  }
0x90: {  	[sflag:s29] =	ssyncset.done $0x0  }
0x91: {  	[sflag:s29] =	ssyncadd.s32 $0xFFFFCE00  }
0x92: {  	_ =	swait.ge [sflag:s30], $0x3200  }
0x93: {  	[sflag:s30] =	ssyncset.done $0x0  }
0x94: {  	[sflag:s30] =	ssyncadd.s32 $0xFFFFCE00  }
0x95: {  	_ =	swait.ge [sflag:s31], $0x3200  }
0x96: {  	s0 =	sadd.s32 $0x1, s0;
	[sflag:s31] =	ssyncset.done $0x0  }
0x97: {  	p0 =	sne.s32 s0, s12;
	[sflag:s31] =	ssyncadd.s32 $0xFFFFCE00  }
.Ltmp1:
0x98: {  	[bflag:$0x0] =	sbarrier.arrive $0xFFFF;
	(pc) =	sbr.rel @p0 .LBB2_1-.Ltmp1, $4  }
0x99: {  	[hbm:s11], [sflag:s6] =	dma.local [spmem:s14], $0x2800  }
0x9a: {  	_ =	swait.ge [sflag:s15], $0x2800  }
0x9b: {  	[sflag:s15] =	ssyncset.done $0x0  }
0x9c: {  	[sflag:s15] =	ssyncadd.s32 $0xFFFFD800  }
0x9d: {  	_ =	sfence.sel $0x180000  }
0x9e: {  	[bflag:$0x0] =	sbarrier.arrive $0xFFFF  }
0x9f: {  	_ =	strace $0x9000004A  }
0xa0: {  	s0 =	stileid.u32;
	[bflag:$0x2] =	sbarrier.arrive $0xFFFF  }
0xa1: {  	p0 =	sne.s32 s0, $0x0;
	s0 =	rddreg [dreg:$0x2]  }
0xa2: {  	s0 =	sadd.s32 @!p0 $0x100000, s0  }
0xa3: {  	[sflag:s0] =	ssyncadd.tile.s32 @!p0 $0x1;
	_ =	shalt  }
.Lfunc_end2:
_tile_overlayer_lowered:
.L_overlay_start_2:
0xa4: {  	(tag) =	ssettag $0x2  }
0xa5: {  	s0 =	rddreg [dreg:$0x0];
	s2 =	stileid.u32  }
0xa6: {  	s1 =	rddreg [dreg:$0x1];
	p0 =	sne.s32 s2, $0x0  }
0xa7: {  	s3 =	rddreg [dreg:$0x2];
	[bflag:$0x3] =	sbarrier.arrive $0xFFFF;
	s2 =	simm.s32 @!p0 $0x1C07  }
0xa8: {  	[timem:s3], [sflag:s2] =	dma.local @!p0 [hbm:s0], s1  }
0xa9: {  	s0 =	simm.s32 @!p0 $0x7  }
0xaa: {  	_ =	swait.ge @!p0 [sflag:s0], s1  }
0xab: {  	s1 =	ssub.s32 @!p0 $0x0, s1;
	[sflag:s0] =	ssyncset.done @!p0 $0x0  }
0xac: {  	[sflag:s0] =	ssyncadd.s32 @!p0 s1  }
0xad: {  	[bflag:$0x3] =	sbarrier.arrive $0xFFFF  }
0xae: {  	_ =	shalt  }

</sc_bundles>
